<compile_context>
chip_gen: v7x
topology: tpu7x:2x2x1
jax: 0.10.2.dev20260603
libtpu: 0.0.44.dev20260713+nightly
codegen_flags: <defaults>
</compile_context>

<pallas_src>
import functools

import jax
import jax.numpy as jnp
from jax import lax
from jax.experimental import pallas as pl
from jax.experimental.pallas import tpu as pltpu
from jax.experimental.pallas import tpu_sc as plsc

N_ROWS = 1000000
D = 64
NC = 2
NS = 16
NW = NC * NS
CHUNK = 128
NBUF = 8
K = 4


def _make_embed_kernel(n_idx: int):
    per_w = n_idx // NW
    n_chunks = per_w // CHUNK
    assert per_w % CHUNK == 0 and n_chunks % NBUF == 0

    mesh = plsc.VectorSubcoreMesh(
        core_axis_name="c", subcore_axis_name="s",
        num_cores=NC, num_subcores=NS,
    )

    @functools.partial(
        pl.kernel,
        out_type=jax.ShapeDtypeStruct((n_idx, D), jnp.float32),
        mesh=mesh,
        scratch_types=(
            pltpu.VMEM((n_chunks, CHUNK), jnp.int32),
            [pltpu.VMEM((CHUNK, D), jnp.float32) for _ in range(NBUF)],
            [pltpu.SemaphoreType.DMA for _ in range(NBUF)],
            [pltpu.SemaphoreType.DMA for _ in range(NBUF)],
        ),
        compiler_params=pltpu.CompilerParams(use_tc_tiling_on_sc=False),
    )
    def embed(idx_hbm, table_hbm, out_hbm, idx_v, rows, gsem, wsem):
        wid = lax.axis_index("s") * NC + lax.axis_index("c")
        base = wid * per_w
        pltpu.sync_copy(idx_hbm.at[wid], idx_v)

        for jj in range(K):
            pltpu.async_copy(table_hbm.at[idx_v.at[jj]], rows[jj], gsem[jj])

        def step(i, _):
            for b in range(NBUF):
                j = i * NBUF + b
                jk = j + K
                bk = (b + K) % NBUF

                @pl.when(jnp.logical_and(jk >= NBUF, jk < n_chunks))
                def _():
                    pltpu.make_async_copy(
                        rows[bk], out_hbm.at[pl.ds(base, CHUNK)], wsem[bk]
                    ).wait()

                @pl.when(jk < n_chunks)
                def _():
                    pltpu.async_copy(table_hbm.at[idx_v.at[jk]], rows[bk], gsem[bk])

                pltpu.make_async_copy(
                    table_hbm.at[idx_v.at[b]], rows[b], gsem[b]
                ).wait()
                pltpu.async_copy(
                    rows[b], out_hbm.at[pl.ds(base + j * CHUNK, CHUNK)], wsem[b]
                )

            return 0

        lax.fori_loop(0, n_chunks // NBUF, step, 0)

        for b in range(NBUF):
            pltpu.make_async_copy(
                rows[b], out_hbm.at[pl.ds(base, CHUNK)], wsem[b]
            ).wait()

    return embed


def kernel(x, weight):
    b, h = x.shape
    n_idx = b * h
    idx = x.reshape(NW, (n_idx // NW) // CHUNK, CHUNK).astype(jnp.int32)
    out = _make_embed_kernel(n_idx)(idx, weight)
    return out.reshape(b, h, weight.shape[1])

# --- scband reference (transcript-rebuilt; emitter-appended) ---
"""Pipeline reference for scband-embed-26774826123317 (READ-ONLY COPY).

The authoritative reference and input builder live on the scoring server;
editing this copy changes nothing except your own understanding.
"""

import jax, jax.numpy as jnp
import numpy as np

N_EMBED = 1000000
D_EMBED = 64
BATCH = 16384
HIST = 50

def setup_inputs(seed: int = 0) -> dict:
    key = jax.random.key(seed)
    k1, k2 = jax.random.split(key)
    x = jax.random.randint(k1, (BATCH, HIST), 0, N_EMBED, dtype=jnp.int64 if jax.config.jax_enable_x64 else jnp.int32)
    weight = jax.random.normal(k2, (N_EMBED, D_EMBED), dtype=jnp.float32)
    return {"x": x, "weight": weight}

def reference(x, weight):
    # Faithful to Embed.forward: F.embedding(x, weight, PAD=None, max_norm=None,
    # norm_type=2.0, scale_grad=False, sparse=False) -> plain gather on axis 0.
    return jnp.take(weight, x, axis=0)

if __name__ == "__main__":
    import jax
    _d = setup_inputs()
    print(jax.jit(kernel)(*tuple(_d.values())))

</pallas_src>

<mosaic_0001>
#map = affine_map<(d0, d1) -> (0, 0, 0)>
#map1 = affine_map<(d0, d1) -> (0, 0)>
module attributes {stable_mosaic.version = 14 : i64} {
  func.func @embed(%arg0: i32, %arg1: i32, %arg2: memref<32x200x128xi32, #tpu.memory_space<hbm>>, %arg3: memref<1000000x64xf32, #tpu.memory_space<hbm>>, %arg4: memref<819200x64xf32, #tpu.memory_space<hbm>>, %arg5: memref<200x128xi32, #tpu.memory_space<vmem>>, %arg6: memref<128x64xf32, #tpu.memory_space<vmem>>, %arg7: memref<128x64xf32, #tpu.memory_space<vmem>>, %arg8: memref<128x64xf32, #tpu.memory_space<vmem>>, %arg9: memref<128x64xf32, #tpu.memory_space<vmem>>, %arg10: memref<128x64xf32, #tpu.memory_space<vmem>>, %arg11: memref<128x64xf32, #tpu.memory_space<vmem>>, %arg12: memref<128x64xf32, #tpu.memory_space<vmem>>, %arg13: memref<128x64xf32, #tpu.memory_space<vmem>>, %arg14: memref<!tpu.dma_semaphore, #tpu.memory_space<semaphore_mem>>, %arg15: memref<!tpu.dma_semaphore, #tpu.memory_space<semaphore_mem>>, %arg16: memref<!tpu.dma_semaphore, #tpu.memory_space<semaphore_mem>>, %arg17: memref<!tpu.dma_semaphore, #tpu.memory_space<semaphore_mem>>, %arg18: memref<!tpu.dma_semaphore, #tpu.memory_space<semaphore_mem>>, %arg19: memref<!tpu.dma_semaphore, #tpu.memory_space<semaphore_mem>>, %arg20: memref<!tpu.dma_semaphore, #tpu.memory_space<semaphore_mem>>, %arg21: memref<!tpu.dma_semaphore, #tpu.memory_space<semaphore_mem>>, %arg22: memref<!tpu.dma_semaphore, #tpu.memory_space<semaphore_mem>>, %arg23: memref<!tpu.dma_semaphore, #tpu.memory_space<semaphore_mem>>, %arg24: memref<!tpu.dma_semaphore, #tpu.memory_space<semaphore_mem>>, %arg25: memref<!tpu.dma_semaphore, #tpu.memory_space<semaphore_mem>>, %arg26: memref<!tpu.dma_semaphore, #tpu.memory_space<semaphore_mem>>, %arg27: memref<!tpu.dma_semaphore, #tpu.memory_space<semaphore_mem>>, %arg28: memref<!tpu.dma_semaphore, #tpu.memory_space<semaphore_mem>>, %arg29: memref<!tpu.dma_semaphore, #tpu.memory_space<semaphore_mem>>) attributes {dimension_semantics = [#tpu.dimension_semantics<core_parallel>, #tpu.dimension_semantics<subcore_parallel>], iteration_bounds = array<i64: 2, 16>, scalar_prefetch = 0 : i64, scratch_operands = 25 : i64, tpu.core_type = #tpu.core_type<sc_vector_subcore>, window_params = [{transform_indices = #map}, {transform_indices = #map1}, {transform_indices = #map1}]} {
    %mul3A = arith.constant 2 : i32
    %mul3A_0 = arith.muli %arg1, %mul3A : i32
    %add3A = arith.addi %mul3A_0, %arg0 : i32
    %mul3A_1 = arith.constant 25600 : i32
    %mul3A_2 = arith.muli %add3A, %mul3A_1 : i32
    "tpu.region"() ({
      %run_scoped3A = tpu.sem_alloc : memref<!tpu.dma_semaphore, #tpu.memory_space<semaphore_mem>>
      %dma_start3A_67 = arith.constant 0 : i32
      %dma_start3A_68 = arith.constant 0 : i32
      %dma_start3A_69 = tpu.memref_slice %arg2[%add3A, %dma_start3A_67, %dma_start3A_68] : memref<32x200x128xi32, #tpu.memory_space<hbm>> -> memref<1x200x128xi32, #tpu.memory_space<hbm>>
      %dma_start3A_70 = tpu.memref_squeeze %dma_start3A_69 : memref<1x200x128xi32, #tpu.memory_space<hbm>> -> memref<200x128xi32, #tpu.memory_space<hbm>>
      %dma_start3A_71 = arith.constant 0 : i32
      %dma_start3A_72 = arith.constant 0 : i32
      %dma_start3A_73 = tpu.memref_slice %arg2[%add3A, %dma_start3A_71, %dma_start3A_72] : memref<32x200x128xi32, #tpu.memory_space<hbm>> -> memref<1x200x128xi32, #tpu.memory_space<hbm>>
      %dma_start3A_74 = tpu.memref_squeeze %dma_start3A_73 : memref<1x200x128xi32, #tpu.memory_space<hbm>> -> memref<200x128xi32, #tpu.memory_space<hbm>>
      tpu.enqueue_dma source(%dma_start3A_74 : memref<200x128xi32, #tpu.memory_space<hbm>>) target(%arg5 : memref<200x128xi32, #tpu.memory_space<vmem>>) target_semaphore(%run_scoped3A : memref<!tpu.dma_semaphore, #tpu.memory_space<semaphore_mem>>)
      %dma_wait3A_75 = arith.constant 0 : i32
      %dma_wait3A_76 = arith.constant 0 : i32
      %dma_wait3A_77 = tpu.memref_slice %arg2[%add3A, %dma_wait3A_75, %dma_wait3A_76] : memref<32x200x128xi32, #tpu.memory_space<hbm>> -> memref<1x200x128xi32, #tpu.memory_space<hbm>>
      %dma_wait3A_78 = tpu.memref_squeeze %dma_wait3A_77 : memref<1x200x128xi32, #tpu.memory_space<hbm>> -> memref<200x128xi32, #tpu.memory_space<hbm>>
      %dma_wait3A_79 = arith.constant 0 : i32
      %dma_wait3A_80 = arith.constant 0 : i32
      %dma_wait3A_81 = tpu.memref_slice %arg2[%add3A, %dma_wait3A_79, %dma_wait3A_80] : memref<32x200x128xi32, #tpu.memory_space<hbm>> -> memref<1x200x128xi32, #tpu.memory_space<hbm>>
      %dma_wait3A_82 = tpu.memref_squeeze %dma_wait3A_81 : memref<1x200x128xi32, #tpu.memory_space<hbm>> -> memref<200x128xi32, #tpu.memory_space<hbm>>
      tpu.wait_dma2 semaphore(%run_scoped3A : memref<!tpu.dma_semaphore, #tpu.memory_space<semaphore_mem>>) src(%dma_wait3A_82 : memref<200x128xi32, #tpu.memory_space<hbm>>) dst(%arg5 : memref<200x128xi32, #tpu.memory_space<vmem>>)
      tpu.yield
    }) : () -> ()
    %dma_start3A = arith.constant 0 : i32
    %dma_start3A_3 = arith.constant 0 : i32
    %dma_start3A_4 = tpu.memref_slice %arg5[%dma_start3A, %dma_start3A_3] : memref<200x128xi32, #tpu.memory_space<vmem>> -> memref<1x128xi32, #tpu.memory_space<vmem>>
    %dma_start3A_5 = tpu.memref_squeeze %dma_start3A_4 : memref<1x128xi32, #tpu.memory_space<vmem>> -> memref<128xi32, #tpu.memory_space<vmem>>
    %dma_start3A_6 = arith.constant 0 : i32
    %dma_start3A_7 = arith.constant 0 : i32
    %dma_start3A_8 = tpu.memref_slice %arg3[%dma_start3A_6, %dma_start3A_7] : memref<1000000x64xf32, #tpu.memory_space<hbm>> -> memref<1000000x64xf32, #tpu.memory_space<hbm>>
    tpu.enqueue_indirect_dma source(%dma_start3A_8 : memref<1000000x64xf32, #tpu.memory_space<hbm>>) target(%arg6 : memref<128x64xf32, #tpu.memory_space<vmem>>) offsets(%dma_start3A_5 : memref<128xi32, #tpu.memory_space<vmem>>) semaphore(%arg14 : memref<!tpu.dma_semaphore, #tpu.memory_space<semaphore_mem>>)
    %dma_start3A_9 = arith.constant 1 : i32
    %dma_start3A_10 = arith.constant 0 : i32
    %dma_start3A_11 = tpu.memref_slice %arg5[%dma_start3A_9, %dma_start3A_10] : memref<200x128xi32, #tpu.memory_space<vmem>> -> memref<1x128xi32, #tpu.memory_space<vmem>>
    %dma_start3A_12 = tpu.memref_squeeze %dma_start3A_11 : memref<1x128xi32, #tpu.memory_space<vmem>> -> memref<128xi32, #tpu.memory_space<vmem>>
    %dma_start3A_13 = arith.constant 0 : i32
    %dma_start3A_14 = arith.constant 0 : i32
    %dma_start3A_15 = tpu.memref_slice %arg3[%dma_start3A_13, %dma_start3A_14] : memref<1000000x64xf32, #tpu.memory_space<hbm>> -> memref<1000000x64xf32, #tpu.memory_space<hbm>>
    tpu.enqueue_indirect_dma source(%dma_start3A_15 : memref<1000000x64xf32, #tpu.memory_space<hbm>>) target(%arg7 : memref<128x64xf32, #tpu.memory_space<vmem>>) offsets(%dma_start3A_12 : memref<128xi32, #tpu.memory_space<vmem>>) semaphore(%arg15 : memref<!tpu.dma_semaphore, #tpu.memory_space<semaphore_mem>>)
    %dma_start3A_16 = arith.constant 2 : i32
    %dma_start3A_17 = arith.constant 0 : i32
    %dma_start3A_18 = tpu.memref_slice %arg5[%dma_start3A_16, %dma_start3A_17] : memref<200x128xi32, #tpu.memory_space<vmem>> -> memref<1x128xi32, #tpu.memory_space<vmem>>
    %dma_start3A_19 = tpu.memref_squeeze %dma_start3A_18 : memref<1x128xi32, #tpu.memory_space<vmem>> -> memref<128xi32, #tpu.memory_space<vmem>>
    %dma_start3A_20 = arith.constant 0 : i32
    %dma_start3A_21 = arith.constant 0 : i32
    %dma_start3A_22 = tpu.memref_slice %arg3[%dma_start3A_20, %dma_start3A_21] : memref<1000000x64xf32, #tpu.memory_space<hbm>> -> memref<1000000x64xf32, #tpu.memory_space<hbm>>
    tpu.enqueue_indirect_dma source(%dma_start3A_22 : memref<1000000x64xf32, #tpu.memory_space<hbm>>) target(%arg8 : memref<128x64xf32, #tpu.memory_space<vmem>>) offsets(%dma_start3A_19 : memref<128xi32, #tpu.memory_space<vmem>>) semaphore(%arg16 : memref<!tpu.dma_semaphore, #tpu.memory_space<semaphore_mem>>)
    %dma_start3A_23 = arith.constant 3 : i32
    %dma_start3A_24 = arith.constant 0 : i32
    %dma_start3A_25 = tpu.memref_slice %arg5[%dma_start3A_23, %dma_start3A_24] : memref<200x128xi32, #tpu.memory_space<vmem>> -> memref<1x128xi32, #tpu.memory_space<vmem>>
    %dma_start3A_26 = tpu.memref_squeeze %dma_start3A_25 : memref<1x128xi32, #tpu.memory_space<vmem>> -> memref<128xi32, #tpu.memory_space<vmem>>
    %dma_start3A_27 = arith.constant 0 : i32
    %dma_start3A_28 = arith.constant 0 : i32
    %dma_start3A_29 = tpu.memref_slice %arg3[%dma_start3A_27, %dma_start3A_28] : memref<1000000x64xf32, #tpu.memory_space<hbm>> -> memref<1000000x64xf32, #tpu.memory_space<hbm>>
    tpu.enqueue_indirect_dma source(%dma_start3A_29 : memref<1000000x64xf32, #tpu.memory_space<hbm>>) target(%arg9 : memref<128x64xf32, #tpu.memory_space<vmem>>) offsets(%dma_start3A_26 : memref<128xi32, #tpu.memory_space<vmem>>) semaphore(%arg17 : memref<!tpu.dma_semaphore, #tpu.memory_space<semaphore_mem>>)
    %scan3A = arith.constant 0 : i32
    %scan3A_30 = arith.constant 0 : i32
    %scan3A_31 = arith.constant 25 : i32
    %scan3A_32 = arith.addi %scan3A_30, %scan3A_31 : i32
    %scan3A_33 = arith.constant 1 : i32
    %scan3A_34 = scf.for %scan3A_67 = %scan3A_30 to %scan3A_32 step %scan3A_33 iter_args(%scan3A_68 = %scan3A) -> (i32)  : i32 {
      %mul3A_69 = arith.constant 8 : i32
      %mul3A_70 = arith.muli %scan3A_67, %mul3A_69 : i32
      %add3A_71 = arith.constant 0 : i32
      %add3A_72 = arith.addi %mul3A_70, %add3A_71 : i32
      %add3A_73 = arith.constant 4 : i32
      %add3A_74 = arith.addi %add3A_72, %add3A_73 : i32
      %ge3A = arith.constant 8 : i32
      %ge3A_75 = arith.cmpi sge, %add3A_74, %ge3A : i32
      %lt3A = arith.constant 200 : i32
      %lt3A_76 = arith.cmpi slt, %add3A_74, %lt3A : i32
      %and3A = arith.andi %ge3A_75, %lt3A_76 : i1
      %convert_element_type3A = arith.extui %and3A : i1 to i32
      %cond3A = arith.constant 0 : i32
      %cond3A_77 = arith.cmpi ne, %convert_element_type3A, %cond3A : i32
      scf.if %cond3A_77 {
        %dma_wait3A_329 = arith.constant 0 : i32
        %dma_wait3A_330 = tpu.memref_slice %arg4[%mul3A_2, %dma_wait3A_329] : memref<819200x64xf32, #tpu.memory_space<hbm>> -> memref<128x64xf32, #tpu.memory_space<hbm>>
        %dma_wait3A_331 = arith.constant 0 : i32
        %dma_wait3A_332 = tpu.memref_slice %arg4[%mul3A_2, %dma_wait3A_331] : memref<819200x64xf32, #tpu.memory_space<hbm>> -> memref<128x64xf32, #tpu.memory_space<hbm>>
        tpu.wait_dma2 semaphore(%arg26 : memref<!tpu.dma_semaphore, #tpu.memory_space<semaphore_mem>>) src(%arg10 : memref<128x64xf32, #tpu.memory_space<vmem>>) dst(%dma_wait3A_332 : memref<128x64xf32, #tpu.memory_space<hbm>>)
      } else {
      }
      %lt3A_78 = arith.constant 200 : i32
      %lt3A_79 = arith.cmpi slt, %add3A_74, %lt3A_78 : i32
      %convert_element_type3A_80 = arith.extui %lt3A_79 : i1 to i32
      %cond3A_81 = arith.constant 0 : i32
      %cond3A_82 = arith.cmpi ne, %convert_element_type3A_80, %cond3A_81 : i32
      scf.if %cond3A_82 {
        %dma_start3A_329 = arith.constant 0 : i32
        %dma_start3A_330 = tpu.memref_slice %arg5[%add3A_74, %dma_start3A_329] : memref<200x128xi32, #tpu.memory_space<vmem>> -> memref<1x128xi32, #tpu.memory_space<vmem>>
        %dma_start3A_331 = tpu.memref_squeeze %dma_start3A_330 : memref<1x128xi32, #tpu.memory_space<vmem>> -> memref<128xi32, #tpu.memory_space<vmem>>
        %dma_start3A_332 = arith.constant 0 : i32
        %dma_start3A_333 = arith.constant 0 : i32
        %dma_start3A_334 = tpu.memref_slice %arg3[%dma_start3A_332, %dma_start3A_333] : memref<1000000x64xf32, #tpu.memory_space<hbm>> -> memref<1000000x64xf32, #tpu.memory_space<hbm>>
        tpu.enqueue_indirect_dma source(%dma_start3A_334 : memref<1000000x64xf32, #tpu.memory_space<hbm>>) target(%arg10 : memref<128x64xf32, #tpu.memory_space<vmem>>) offsets(%dma_start3A_331 : memref<128xi32, #tpu.memory_space<vmem>>) semaphore(%arg18 : memref<!tpu.dma_semaphore, #tpu.memory_space<semaphore_mem>>)
      } else {
      }
      %dma_wait3A_83 = arith.constant 0 : i32
      %dma_wait3A_84 = arith.constant 0 : i32
      %dma_wait3A_85 = tpu.memref_slice %arg5[%dma_wait3A_83, %dma_wait3A_84] : memref<200x128xi32, #tpu.memory_space<vmem>> -> memref<1x128xi32, #tpu.memory_space<vmem>>
      %dma_wait3A_86 = tpu.memref_squeeze %dma_wait3A_85 : memref<1x128xi32, #tpu.memory_space<vmem>> -> memref<128xi32, #tpu.memory_space<vmem>>
      %dma_wait3A_87 = arith.constant 0 : i32
      %dma_wait3A_88 = arith.constant 0 : i32
      %dma_wait3A_89 = tpu.memref_slice %arg3[%dma_wait3A_87, %dma_wait3A_88] : memref<1000000x64xf32, #tpu.memory_space<hbm>> -> memref<1000000x64xf32, #tpu.memory_space<hbm>>
      tpu.wait_indirect_dma semaphore(%arg14 : memref<!tpu.dma_semaphore, #tpu.memory_space<semaphore_mem>>) src(%dma_wait3A_89 : memref<1000000x64xf32, #tpu.memory_space<hbm>>) dst(%arg6 : memref<128x64xf32, #tpu.memory_space<vmem>>)
      %mul3A_90 = arith.constant 128 : i32
      %mul3A_91 = arith.muli %add3A_72, %mul3A_90 : i32
      %add3A_92 = arith.addi %mul3A_2, %mul3A_91 : i32
      %dma_start3A_93 = arith.constant 0 : i32
      %dma_start3A_94 = tpu.memref_slice %arg4[%add3A_92, %dma_start3A_93] : memref<819200x64xf32, #tpu.memory_space<hbm>> -> memref<128x64xf32, #tpu.memory_space<hbm>>
      %dma_start3A_95 = arith.constant 0 : i32
      %dma_start3A_96 = tpu.memref_slice %arg4[%add3A_92, %dma_start3A_95] : memref<819200x64xf32, #tpu.memory_space<hbm>> -> memref<128x64xf32, #tpu.memory_space<hbm>>
      tpu.enqueue_dma source(%arg6 : memref<128x64xf32, #tpu.memory_space<vmem>>) target(%dma_start3A_96 : memref<128x64xf32, #tpu.memory_space<hbm>>) target_semaphore(%arg22 : memref<!tpu.dma_semaphore, #tpu.memory_space<semaphore_mem>>)
      %mul3A_97 = arith.constant 8 : i32
      %mul3A_98 = arith.muli %scan3A_67, %mul3A_97 : i32
      %add3A_99 = arith.constant 1 : i32
      %add3A_100 = arith.addi %mul3A_98, %add3A_99 : i32
      %add3A_101 = arith.constant 4 : i32
      %add3A_102 = arith.addi %add3A_100, %add3A_101 : i32
      %ge3A_103 = arith.constant 8 : i32
      %ge3A_104 = arith.cmpi sge, %add3A_102, %ge3A_103 : i32
      %lt3A_105 = arith.constant 200 : i32
      %lt3A_106 = arith.cmpi slt, %add3A_102, %lt3A_105 : i32
      %and3A_107 = arith.andi %ge3A_104, %lt3A_106 : i1
      %convert_element_type3A_108 = arith.extui %and3A_107 : i1 to i32
      %cond3A_109 = arith.constant 0 : i32
      %cond3A_110 = arith.cmpi ne, %convert_element_type3A_108, %cond3A_109 : i32
      scf.if %cond3A_110 {
        %dma_wait3A_329 = arith.constant 0 : i32
        %dma_wait3A_330 = tpu.memref_slice %arg4[%mul3A_2, %dma_wait3A_329] : memref<819200x64xf32, #tpu.memory_space<hbm>> -> memref<128x64xf32, #tpu.memory_space<hbm>>
        %dma_wait3A_331 = arith.constant 0 : i32
        %dma_wait3A_332 = tpu.memref_slice %arg4[%mul3A_2, %dma_wait3A_331] : memref<819200x64xf32, #tpu.memory_space<hbm>> -> memref<128x64xf32, #tpu.memory_space<hbm>>
        tpu.wait_dma2 semaphore(%arg27 : memref<!tpu.dma_semaphore, #tpu.memory_space<semaphore_mem>>) src(%arg11 : memref<128x64xf32, #tpu.memory_space<vmem>>) dst(%dma_wait3A_332 : memref<128x64xf32, #tpu.memory_space<hbm>>)
      } else {
      }
      %lt3A_111 = arith.constant 200 : i32
      %lt3A_112 = arith.cmpi slt, %add3A_102, %lt3A_111 : i32
      %convert_element_type3A_113 = arith.extui %lt3A_112 : i1 to i32
      %cond3A_114 = arith.constant 0 : i32
      %cond3A_115 = arith.cmpi ne, %convert_element_type3A_113, %cond3A_114 : i32
      scf.if %cond3A_115 {
        %dma_start3A_329 = arith.constant 0 : i32
        %dma_start3A_330 = tpu.memref_slice %arg5[%add3A_102, %dma_start3A_329] : memref<200x128xi32, #tpu.memory_space<vmem>> -> memref<1x128xi32, #tpu.memory_space<vmem>>
        %dma_start3A_331 = tpu.memref_squeeze %dma_start3A_330 : memref<1x128xi32, #tpu.memory_space<vmem>> -> memref<128xi32, #tpu.memory_space<vmem>>
        %dma_start3A_332 = arith.constant 0 : i32
        %dma_start3A_333 = arith.constant 0 : i32
        %dma_start3A_334 = tpu.memref_slice %arg3[%dma_start3A_332, %dma_start3A_333] : memref<1000000x64xf32, #tpu.memory_space<hbm>> -> memref<1000000x64xf32, #tpu.memory_space<hbm>>
        tpu.enqueue_indirect_dma source(%dma_start3A_334 : memref<1000000x64xf32, #tpu.memory_space<hbm>>) target(%arg11 : memref<128x64xf32, #tpu.memory_space<vmem>>) offsets(%dma_start3A_331 : memref<128xi32, #tpu.memory_space<vmem>>) semaphore(%arg19 : memref<!tpu.dma_semaphore, #tpu.memory_space<semaphore_mem>>)
      } else {
      }
      %dma_wait3A_116 = arith.constant 1 : i32
      %dma_wait3A_117 = arith.constant 0 : i32
      %dma_wait3A_118 = tpu.memref_slice %arg5[%dma_wait3A_116, %dma_wait3A_117] : memref<200x128xi32, #tpu.memory_space<vmem>> -> memref<1x128xi32, #tpu.memory_space<vmem>>
      %dma_wait3A_119 = tpu.memref_squeeze %dma_wait3A_118 : memref<1x128xi32, #tpu.memory_space<vmem>> -> memref<128xi32, #tpu.memory_space<vmem>>
      %dma_wait3A_120 = arith.constant 0 : i32
      %dma_wait3A_121 = arith.constant 0 : i32
      %dma_wait3A_122 = tpu.memref_slice %arg3[%dma_wait3A_120, %dma_wait3A_121] : memref<1000000x64xf32, #tpu.memory_space<hbm>> -> memref<1000000x64xf32, #tpu.memory_space<hbm>>
      tpu.wait_indirect_dma semaphore(%arg15 : memref<!tpu.dma_semaphore, #tpu.memory_space<semaphore_mem>>) src(%dma_wait3A_122 : memref<1000000x64xf32, #tpu.memory_space<hbm>>) dst(%arg7 : memref<128x64xf32, #tpu.memory_space<vmem>>)
      %mul3A_123 = arith.constant 128 : i32
      %mul3A_124 = arith.muli %add3A_100, %mul3A_123 : i32
      %add3A_125 = arith.addi %mul3A_2, %mul3A_124 : i32
      %dma_start3A_126 = arith.constant 0 : i32
      %dma_start3A_127 = tpu.memref_slice %arg4[%add3A_125, %dma_start3A_126] : memref<819200x64xf32, #tpu.memory_space<hbm>> -> memref<128x64xf32, #tpu.memory_space<hbm>>
      %dma_start3A_128 = arith.constant 0 : i32
      %dma_start3A_129 = tpu.memref_slice %arg4[%add3A_125, %dma_start3A_128] : memref<819200x64xf32, #tpu.memory_space<hbm>> -> memref<128x64xf32, #tpu.memory_space<hbm>>
      tpu.enqueue_dma source(%arg7 : memref<128x64xf32, #tpu.memory_space<vmem>>) target(%dma_start3A_129 : memref<128x64xf32, #tpu.memory_space<hbm>>) target_semaphore(%arg23 : memref<!tpu.dma_semaphore, #tpu.memory_space<semaphore_mem>>)
      %mul3A_130 = arith.constant 8 : i32
      %mul3A_131 = arith.muli %scan3A_67, %mul3A_130 : i32
      %add3A_132 = arith.constant 2 : i32
      %add3A_133 = arith.addi %mul3A_131, %add3A_132 : i32
      %add3A_134 = arith.constant 4 : i32
      %add3A_135 = arith.addi %add3A_133, %add3A_134 : i32
      %ge3A_136 = arith.constant 8 : i32
      %ge3A_137 = arith.cmpi sge, %add3A_135, %ge3A_136 : i32
      %lt3A_138 = arith.constant 200 : i32
      %lt3A_139 = arith.cmpi slt, %add3A_135, %lt3A_138 : i32
      %and3A_140 = arith.andi %ge3A_137, %lt3A_139 : i1
      %convert_element_type3A_141 = arith.extui %and3A_140 : i1 to i32
      %cond3A_142 = arith.constant 0 : i32
      %cond3A_143 = arith.cmpi ne, %convert_element_type3A_141, %cond3A_142 : i32
      scf.if %cond3A_143 {
        %dma_wait3A_329 = arith.constant 0 : i32
        %dma_wait3A_330 = tpu.memref_slice %arg4[%mul3A_2, %dma_wait3A_329] : memref<819200x64xf32, #tpu.memory_space<hbm>> -> memref<128x64xf32, #tpu.memory_space<hbm>>
        %dma_wait3A_331 = arith.constant 0 : i32
        %dma_wait3A_332 = tpu.memref_slice %arg4[%mul3A_2, %dma_wait3A_331] : memref<819200x64xf32, #tpu.memory_space<hbm>> -> memref<128x64xf32, #tpu.memory_space<hbm>>
        tpu.wait_dma2 semaphore(%arg28 : memref<!tpu.dma_semaphore, #tpu.memory_space<semaphore_mem>>) src(%arg12 : memref<128x64xf32, #tpu.memory_space<vmem>>) dst(%dma_wait3A_332 : memref<128x64xf32, #tpu.memory_space<hbm>>)
      } else {
      }
      %lt3A_144 = arith.constant 200 : i32
      %lt3A_145 = arith.cmpi slt, %add3A_135, %lt3A_144 : i32
      %convert_element_type3A_146 = arith.extui %lt3A_145 : i1 to i32
      %cond3A_147 = arith.constant 0 : i32
      %cond3A_148 = arith.cmpi ne, %convert_element_type3A_146, %cond3A_147 : i32
      scf.if %cond3A_148 {
        %dma_start3A_329 = arith.constant 0 : i32
        %dma_start3A_330 = tpu.memref_slice %arg5[%add3A_135, %dma_start3A_329] : memref<200x128xi32, #tpu.memory_space<vmem>> -> memref<1x128xi32, #tpu.memory_space<vmem>>
        %dma_start3A_331 = tpu.memref_squeeze %dma_start3A_330 : memref<1x128xi32, #tpu.memory_space<vmem>> -> memref<128xi32, #tpu.memory_space<vmem>>
        %dma_start3A_332 = arith.constant 0 : i32
        %dma_start3A_333 = arith.constant 0 : i32
        %dma_start3A_334 = tpu.memref_slice %arg3[%dma_start3A_332, %dma_start3A_333] : memref<1000000x64xf32, #tpu.memory_space<hbm>> -> memref<1000000x64xf32, #tpu.memory_space<hbm>>
        tpu.enqueue_indirect_dma source(%dma_start3A_334 : memref<1000000x64xf32, #tpu.memory_space<hbm>>) target(%arg12 : memref<128x64xf32, #tpu.memory_space<vmem>>) offsets(%dma_start3A_331 : memref<128xi32, #tpu.memory_space<vmem>>) semaphore(%arg20 : memref<!tpu.dma_semaphore, #tpu.memory_space<semaphore_mem>>)
      } else {
      }
      %dma_wait3A_149 = arith.constant 2 : i32
      %dma_wait3A_150 = arith.constant 0 : i32
      %dma_wait3A_151 = tpu.memref_slice %arg5[%dma_wait3A_149, %dma_wait3A_150] : memref<200x128xi32, #tpu.memory_space<vmem>> -> memref<1x128xi32, #tpu.memory_space<vmem>>
      %dma_wait3A_152 = tpu.memref_squeeze %dma_wait3A_151 : memref<1x128xi32, #tpu.memory_space<vmem>> -> memref<128xi32, #tpu.memory_space<vmem>>
      %dma_wait3A_153 = arith.constant 0 : i32
      %dma_wait3A_154 = arith.constant 0 : i32
      %dma_wait3A_155 = tpu.memref_slice %arg3[%dma_wait3A_153, %dma_wait3A_154] : memref<1000000x64xf32, #tpu.memory_space<hbm>> -> memref<1000000x64xf32, #tpu.memory_space<hbm>>
      tpu.wait_indirect_dma semaphore(%arg16 : memref<!tpu.dma_semaphore, #tpu.memory_space<semaphore_mem>>) src(%dma_wait3A_155 : memref<1000000x64xf32, #tpu.memory_space<hbm>>) dst(%arg8 : memref<128x64xf32, #tpu.memory_space<vmem>>)
      %mul3A_156 = arith.constant 128 : i32
      %mul3A_157 = arith.muli %add3A_133, %mul3A_156 : i32
      %add3A_158 = arith.addi %mul3A_2, %mul3A_157 : i32
      %dma_start3A_159 = arith.constant 0 : i32
      %dma_start3A_160 = tpu.memref_slice %arg4[%add3A_158, %dma_start3A_159] : memref<819200x64xf32, #tpu.memory_space<hbm>> -> memref<128x64xf32, #tpu.memory_space<hbm>>
      %dma_start3A_161 = arith.constant 0 : i32
      %dma_start3A_162 = tpu.memref_slice %arg4[%add3A_158, %dma_start3A_161] : memref<819200x64xf32, #tpu.memory_space<hbm>> -> memref<128x64xf32, #tpu.memory_space<hbm>>
      tpu.enqueue_dma source(%arg8 : memref<128x64xf32, #tpu.memory_space<vmem>>) target(%dma_start3A_162 : memref<128x64xf32, #tpu.memory_space<hbm>>) target_semaphore(%arg24 : memref<!tpu.dma_semaphore, #tpu.memory_space<semaphore_mem>>)
      %mul3A_163 = arith.constant 8 : i32
      %mul3A_164 = arith.muli %scan3A_67, %mul3A_163 : i32
      %add3A_165 = arith.constant 3 : i32
      %add3A_166 = arith.addi %mul3A_164, %add3A_165 : i32
      %add3A_167 = arith.constant 4 : i32
      %add3A_168 = arith.addi %add3A_166, %add3A_167 : i32
      %ge3A_169 = arith.constant 8 : i32
      %ge3A_170 = arith.cmpi sge, %add3A_168, %ge3A_169 : i32
      %lt3A_171 = arith.constant 200 : i32
      %lt3A_172 = arith.cmpi slt, %add3A_168, %lt3A_171 : i32
      %and3A_173 = arith.andi %ge3A_170, %lt3A_172 : i1
      %convert_element_type3A_174 = arith.extui %and3A_173 : i1 to i32
      %cond3A_175 = arith.constant 0 : i32
      %cond3A_176 = arith.cmpi ne, %convert_element_type3A_174, %cond3A_175 : i32
      scf.if %cond3A_176 {
        %dma_wait3A_329 = arith.constant 0 : i32
        %dma_wait3A_330 = tpu.memref_slice %arg4[%mul3A_2, %dma_wait3A_329] : memref<819200x64xf32, #tpu.memory_space<hbm>> -> memref<128x64xf32, #tpu.memory_space<hbm>>
        %dma_wait3A_331 = arith.constant 0 : i32
        %dma_wait3A_332 = tpu.memref_slice %arg4[%mul3A_2, %dma_wait3A_331] : memref<819200x64xf32, #tpu.memory_space<hbm>> -> memref<128x64xf32, #tpu.memory_space<hbm>>
        tpu.wait_dma2 semaphore(%arg29 : memref<!tpu.dma_semaphore, #tpu.memory_space<semaphore_mem>>) src(%arg13 : memref<128x64xf32, #tpu.memory_space<vmem>>) dst(%dma_wait3A_332 : memref<128x64xf32, #tpu.memory_space<hbm>>)
      } else {
      }
      %lt3A_177 = arith.constant 200 : i32
      %lt3A_178 = arith.cmpi slt, %add3A_168, %lt3A_177 : i32
      %convert_element_type3A_179 = arith.extui %lt3A_178 : i1 to i32
      %cond3A_180 = arith.constant 0 : i32
      %cond3A_181 = arith.cmpi ne, %convert_element_type3A_179, %cond3A_180 : i32
      scf.if %cond3A_181 {
        %dma_start3A_329 = arith.constant 0 : i32
        %dma_start3A_330 = tpu.memref_slice %arg5[%add3A_168, %dma_start3A_329] : memref<200x128xi32, #tpu.memory_space<vmem>> -> memref<1x128xi32, #tpu.memory_space<vmem>>
        %dma_start3A_331 = tpu.memref_squeeze %dma_start3A_330 : memref<1x128xi32, #tpu.memory_space<vmem>> -> memref<128xi32, #tpu.memory_space<vmem>>
        %dma_start3A_332 = arith.constant 0 : i32
        %dma_start3A_333 = arith.constant 0 : i32
        %dma_start3A_334 = tpu.memref_slice %arg3[%dma_start3A_332, %dma_start3A_333] : memref<1000000x64xf32, #tpu.memory_space<hbm>> -> memref<1000000x64xf32, #tpu.memory_space<hbm>>
        tpu.enqueue_indirect_dma source(%dma_start3A_334 : memref<1000000x64xf32, #tpu.memory_space<hbm>>) target(%arg13 : memref<128x64xf32, #tpu.memory_space<vmem>>) offsets(%dma_start3A_331 : memref<128xi32, #tpu.memory_space<vmem>>) semaphore(%arg21 : memref<!tpu.dma_semaphore, #tpu.memory_space<semaphore_mem>>)
      } else {
      }
      %dma_wait3A_182 = arith.constant 3 : i32
      %dma_wait3A_183 = arith.constant 0 : i32
      %dma_wait3A_184 = tpu.memref_slice %arg5[%dma_wait3A_182, %dma_wait3A_183] : memref<200x128xi32, #tpu.memory_space<vmem>> -> memref<1x128xi32, #tpu.memory_space<vmem>>
      %dma_wait3A_185 = tpu.memref_squeeze %dma_wait3A_184 : memref<1x128xi32, #tpu.memory_space<vmem>> -> memref<128xi32, #tpu.memory_space<vmem>>
      %dma_wait3A_186 = arith.constant 0 : i32
      %dma_wait3A_187 = arith.constant 0 : i32
      %dma_wait3A_188 = tpu.memref_slice %arg3[%dma_wait3A_186, %dma_wait3A_187] : memref<1000000x64xf32, #tpu.memory_space<hbm>> -> memref<1000000x64xf32, #tpu.memory_space<hbm>>
      tpu.wait_indirect_dma semaphore(%arg17 : memref<!tpu.dma_semaphore, #tpu.memory_space<semaphore_mem>>) src(%dma_wait3A_188 : memref<1000000x64xf32, #tpu.memory_space<hbm>>) dst(%arg9 : memref<128x64xf32, #tpu.memory_space<vmem>>)
      %mul3A_189 = arith.constant 128 : i32
      %mul3A_190 = arith.muli %add3A_166, %mul3A_189 : i32
      %add3A_191 = arith.addi %mul3A_2, %mul3A_190 : i32
      %dma_start3A_192 = arith.constant 0 : i32
      %dma_start3A_193 = tpu.memref_slice %arg4[%add3A_191, %dma_start3A_192] : memref<819200x64xf32, #tpu.memory_space<hbm>> -> memref<128x64xf32, #tpu.memory_space<hbm>>
      %dma_start3A_194 = arith.constant 0 : i32
      %dma_start3A_195 = tpu.memref_slice %arg4[%add3A_191, %dma_start3A_194] : memref<819200x64xf32, #tpu.memory_space<hbm>> -> memref<128x64xf32, #tpu.memory_space<hbm>>
      tpu.enqueue_dma source(%arg9 : memref<128x64xf32, #tpu.memory_space<vmem>>) target(%dma_start3A_195 : memref<128x64xf32, #tpu.memory_space<hbm>>) target_semaphore(%arg25 : memref<!tpu.dma_semaphore, #tpu.memory_space<semaphore_mem>>)
      %mul3A_196 = arith.constant 8 : i32
      %mul3A_197 = arith.muli %scan3A_67, %mul3A_196 : i32
      %add3A_198 = arith.constant 4 : i32
      %add3A_199 = arith.addi %mul3A_197, %add3A_198 : i32
      %add3A_200 = arith.constant 4 : i32
      %add3A_201 = arith.addi %add3A_199, %add3A_200 : i32
      %ge3A_202 = arith.constant 8 : i32
      %ge3A_203 = arith.cmpi sge, %add3A_201, %ge3A_202 : i32
      %lt3A_204 = arith.constant 200 : i32
      %lt3A_205 = arith.cmpi slt, %add3A_201, %lt3A_204 : i32
      %and3A_206 = arith.andi %ge3A_203, %lt3A_205 : i1
      %convert_element_type3A_207 = arith.extui %and3A_206 : i1 to i32
      %cond3A_208 = arith.constant 0 : i32
      %cond3A_209 = arith.cmpi ne, %convert_element_type3A_207, %cond3A_208 : i32
      scf.if %cond3A_209 {
        %dma_wait3A_329 = arith.constant 0 : i32
        %dma_wait3A_330 = tpu.memref_slice %arg4[%mul3A_2, %dma_wait3A_329] : memref<819200x64xf32, #tpu.memory_space<hbm>> -> memref<128x64xf32, #tpu.memory_space<hbm>>
        %dma_wait3A_331 = arith.constant 0 : i32
        %dma_wait3A_332 = tpu.memref_slice %arg4[%mul3A_2, %dma_wait3A_331] : memref<819200x64xf32, #tpu.memory_space<hbm>> -> memref<128x64xf32, #tpu.memory_space<hbm>>
        tpu.wait_dma2 semaphore(%arg22 : memref<!tpu.dma_semaphore, #tpu.memory_space<semaphore_mem>>) src(%arg6 : memref<128x64xf32, #tpu.memory_space<vmem>>) dst(%dma_wait3A_332 : memref<128x64xf32, #tpu.memory_space<hbm>>)
      } else {
      }
      %lt3A_210 = arith.constant 200 : i32
      %lt3A_211 = arith.cmpi slt, %add3A_201, %lt3A_210 : i32
      %convert_element_type3A_212 = arith.extui %lt3A_211 : i1 to i32
      %cond3A_213 = arith.constant 0 : i32
      %cond3A_214 = arith.cmpi ne, %convert_element_type3A_212, %cond3A_213 : i32
      scf.if %cond3A_214 {
        %dma_start3A_329 = arith.constant 0 : i32
        %dma_start3A_330 = tpu.memref_slice %arg5[%add3A_201, %dma_start3A_329] : memref<200x128xi32, #tpu.memory_space<vmem>> -> memref<1x128xi32, #tpu.memory_space<vmem>>
        %dma_start3A_331 = tpu.memref_squeeze %dma_start3A_330 : memref<1x128xi32, #tpu.memory_space<vmem>> -> memref<128xi32, #tpu.memory_space<vmem>>
        %dma_start3A_332 = arith.constant 0 : i32
        %dma_start3A_333 = arith.constant 0 : i32
        %dma_start3A_334 = tpu.memref_slice %arg3[%dma_start3A_332, %dma_start3A_333] : memref<1000000x64xf32, #tpu.memory_space<hbm>> -> memref<1000000x64xf32, #tpu.memory_space<hbm>>
        tpu.enqueue_indirect_dma source(%dma_start3A_334 : memref<1000000x64xf32, #tpu.memory_space<hbm>>) target(%arg6 : memref<128x64xf32, #tpu.memory_space<vmem>>) offsets(%dma_start3A_331 : memref<128xi32, #tpu.memory_space<vmem>>) semaphore(%arg14 : memref<!tpu.dma_semaphore, #tpu.memory_space<semaphore_mem>>)
      } else {
      }
      %dma_wait3A_215 = arith.constant 4 : i32
      %dma_wait3A_216 = arith.constant 0 : i32
      %dma_wait3A_217 = tpu.memref_slice %arg5[%dma_wait3A_215, %dma_wait3A_216] : memref<200x128xi32, #tpu.memory_space<vmem>> -> memref<1x128xi32, #tpu.memory_space<vmem>>
      %dma_wait3A_218 = tpu.memref_squeeze %dma_wait3A_217 : memref<1x128xi32, #tpu.memory_space<vmem>> -> memref<128xi32, #tpu.memory_space<vmem>>
      %dma_wait3A_219 = arith.constant 0 : i32
      %dma_wait3A_220 = arith.constant 0 : i32
      %dma_wait3A_221 = tpu.memref_slice %arg3[%dma_wait3A_219, %dma_wait3A_220] : memref<1000000x64xf32, #tpu.memory_space<hbm>> -> memref<1000000x64xf32, #tpu.memory_space<hbm>>
      tpu.wait_indirect_dma semaphore(%arg18 : memref<!tpu.dma_semaphore, #tpu.memory_space<semaphore_mem>>) src(%dma_wait3A_221 : memref<1000000x64xf32, #tpu.memory_space<hbm>>) dst(%arg10 : memref<128x64xf32, #tpu.memory_space<vmem>>)
      %mul3A_222 = arith.constant 128 : i32
      %mul3A_223 = arith.muli %add3A_199, %mul3A_222 : i32
      %add3A_224 = arith.addi %mul3A_2, %mul3A_223 : i32
      %dma_start3A_225 = arith.constant 0 : i32
      %dma_start3A_226 = tpu.memref_slice %arg4[%add3A_224, %dma_start3A_225] : memref<819200x64xf32, #tpu.memory_space<hbm>> -> memref<128x64xf32, #tpu.memory_space<hbm>>
      %dma_start3A_227 = arith.constant 0 : i32
      %dma_start3A_228 = tpu.memref_slice %arg4[%add3A_224, %dma_start3A_227] : memref<819200x64xf32, #tpu.memory_space<hbm>> -> memref<128x64xf32, #tpu.memory_space<hbm>>
      tpu.enqueue_dma source(%arg10 : memref<128x64xf32, #tpu.memory_space<vmem>>) target(%dma_start3A_228 : memref<128x64xf32, #tpu.memory_space<hbm>>) target_semaphore(%arg26 : memref<!tpu.dma_semaphore, #tpu.memory_space<semaphore_mem>>)
      %mul3A_229 = arith.constant 8 : i32
      %mul3A_230 = arith.muli %scan3A_67, %mul3A_229 : i32
      %add3A_231 = arith.constant 5 : i32
      %add3A_232 = arith.addi %mul3A_230, %add3A_231 : i32
      %add3A_233 = arith.constant 4 : i32
      %add3A_234 = arith.addi %add3A_232, %add3A_233 : i32
      %ge3A_235 = arith.constant 8 : i32
      %ge3A_236 = arith.cmpi sge, %add3A_234, %ge3A_235 : i32
      %lt3A_237 = arith.constant 200 : i32
      %lt3A_238 = arith.cmpi slt, %add3A_234, %lt3A_237 : i32
      %and3A_239 = arith.andi %ge3A_236, %lt3A_238 : i1
      %convert_element_type3A_240 = arith.extui %and3A_239 : i1 to i32
      %cond3A_241 = arith.constant 0 : i32
      %cond3A_242 = arith.cmpi ne, %convert_element_type3A_240, %cond3A_241 : i32
      scf.if %cond3A_242 {
        %dma_wait3A_329 = arith.constant 0 : i32
        %dma_wait3A_330 = tpu.memref_slice %arg4[%mul3A_2, %dma_wait3A_329] : memref<819200x64xf32, #tpu.memory_space<hbm>> -> memref<128x64xf32, #tpu.memory_space<hbm>>
        %dma_wait3A_331 = arith.constant 0 : i32
        %dma_wait3A_332 = tpu.memref_slice %arg4[%mul3A_2, %dma_wait3A_331] : memref<819200x64xf32, #tpu.memory_space<hbm>> -> memref<128x64xf32, #tpu.memory_space<hbm>>
        tpu.wait_dma2 semaphore(%arg23 : memref<!tpu.dma_semaphore, #tpu.memory_space<semaphore_mem>>) src(%arg7 : memref<128x64xf32, #tpu.memory_space<vmem>>) dst(%dma_wait3A_332 : memref<128x64xf32, #tpu.memory_space<hbm>>)
      } else {
      }
      %lt3A_243 = arith.constant 200 : i32
      %lt3A_244 = arith.cmpi slt, %add3A_234, %lt3A_243 : i32
      %convert_element_type3A_245 = arith.extui %lt3A_244 : i1 to i32
      %cond3A_246 = arith.constant 0 : i32
      %cond3A_247 = arith.cmpi ne, %convert_element_type3A_245, %cond3A_246 : i32
      scf.if %cond3A_247 {
        %dma_start3A_329 = arith.constant 0 : i32
        %dma_start3A_330 = tpu.memref_slice %arg5[%add3A_234, %dma_start3A_329] : memref<200x128xi32, #tpu.memory_space<vmem>> -> memref<1x128xi32, #tpu.memory_space<vmem>>
        %dma_start3A_331 = tpu.memref_squeeze %dma_start3A_330 : memref<1x128xi32, #tpu.memory_space<vmem>> -> memref<128xi32, #tpu.memory_space<vmem>>
        %dma_start3A_332 = arith.constant 0 : i32
        %dma_start3A_333 = arith.constant 0 : i32
        %dma_start3A_334 = tpu.memref_slice %arg3[%dma_start3A_332, %dma_start3A_333] : memref<1000000x64xf32, #tpu.memory_space<hbm>> -> memref<1000000x64xf32, #tpu.memory_space<hbm>>
        tpu.enqueue_indirect_dma source(%dma_start3A_334 : memref<1000000x64xf32, #tpu.memory_space<hbm>>) target(%arg7 : memref<128x64xf32, #tpu.memory_space<vmem>>) offsets(%dma_start3A_331 : memref<128xi32, #tpu.memory_space<vmem>>) semaphore(%arg15 : memref<!tpu.dma_semaphore, #tpu.memory_space<semaphore_mem>>)
      } else {
      }
      %dma_wait3A_248 = arith.constant 5 : i32
      %dma_wait3A_249 = arith.constant 0 : i32
      %dma_wait3A_250 = tpu.memref_slice %arg5[%dma_wait3A_248, %dma_wait3A_249] : memref<200x128xi32, #tpu.memory_space<vmem>> -> memref<1x128xi32, #tpu.memory_space<vmem>>
      %dma_wait3A_251 = tpu.memref_squeeze %dma_wait3A_250 : memref<1x128xi32, #tpu.memory_space<vmem>> -> memref<128xi32, #tpu.memory_space<vmem>>
      %dma_wait3A_252 = arith.constant 0 : i32
      %dma_wait3A_253 = arith.constant 0 : i32
      %dma_wait3A_254 = tpu.memref_slice %arg3[%dma_wait3A_252, %dma_wait3A_253] : memref<1000000x64xf32, #tpu.memory_space<hbm>> -> memref<1000000x64xf32, #tpu.memory_space<hbm>>
      tpu.wait_indirect_dma semaphore(%arg19 : memref<!tpu.dma_semaphore, #tpu.memory_space<semaphore_mem>>) src(%dma_wait3A_254 : memref<1000000x64xf32, #tpu.memory_space<hbm>>) dst(%arg11 : memref<128x64xf32, #tpu.memory_space<vmem>>)
      %mul3A_255 = arith.constant 128 : i32
      %mul3A_256 = arith.muli %add3A_232, %mul3A_255 : i32
      %add3A_257 = arith.addi %mul3A_2, %mul3A_256 : i32
      %dma_start3A_258 = arith.constant 0 : i32
      %dma_start3A_259 = tpu.memref_slice %arg4[%add3A_257, %dma_start3A_258] : memref<819200x64xf32, #tpu.memory_space<hbm>> -> memref<128x64xf32, #tpu.memory_space<hbm>>
      %dma_start3A_260 = arith.constant 0 : i32
      %dma_start3A_261 = tpu.memref_slice %arg4[%add3A_257, %dma_start3A_260] : memref<819200x64xf32, #tpu.memory_space<hbm>> -> memref<128x64xf32, #tpu.memory_space<hbm>>
      tpu.enqueue_dma source(%arg11 : memref<128x64xf32, #tpu.memory_space<vmem>>) target(%dma_start3A_261 : memref<128x64xf32, #tpu.memory_space<hbm>>) target_semaphore(%arg27 : memref<!tpu.dma_semaphore, #tpu.memory_space<semaphore_mem>>)
      %mul3A_262 = arith.constant 8 : i32
      %mul3A_263 = arith.muli %scan3A_67, %mul3A_262 : i32
      %add3A_264 = arith.constant 6 : i32
      %add3A_265 = arith.addi %mul3A_263, %add3A_264 : i32
      %add3A_266 = arith.constant 4 : i32
      %add3A_267 = arith.addi %add3A_265, %add3A_266 : i32
      %ge3A_268 = arith.constant 8 : i32
      %ge3A_269 = arith.cmpi sge, %add3A_267, %ge3A_268 : i32
      %lt3A_270 = arith.constant 200 : i32
      %lt3A_271 = arith.cmpi slt, %add3A_267, %lt3A_270 : i32
      %and3A_272 = arith.andi %ge3A_269, %lt3A_271 : i1
      %convert_element_type3A_273 = arith.extui %and3A_272 : i1 to i32
      %cond3A_274 = arith.constant 0 : i32
      %cond3A_275 = arith.cmpi ne, %convert_element_type3A_273, %cond3A_274 : i32
      scf.if %cond3A_275 {
        %dma_wait3A_329 = arith.constant 0 : i32
        %dma_wait3A_330 = tpu.memref_slice %arg4[%mul3A_2, %dma_wait3A_329] : memref<819200x64xf32, #tpu.memory_space<hbm>> -> memref<128x64xf32, #tpu.memory_space<hbm>>
        %dma_wait3A_331 = arith.constant 0 : i32
        %dma_wait3A_332 = tpu.memref_slice %arg4[%mul3A_2, %dma_wait3A_331] : memref<819200x64xf32, #tpu.memory_space<hbm>> -> memref<128x64xf32, #tpu.memory_space<hbm>>
        tpu.wait_dma2 semaphore(%arg24 : memref<!tpu.dma_semaphore, #tpu.memory_space<semaphore_mem>>) src(%arg8 : memref<128x64xf32, #tpu.memory_space<vmem>>) dst(%dma_wait3A_332 : memref<128x64xf32, #tpu.memory_space<hbm>>)
      } else {
      }
      %lt3A_276 = arith.constant 200 : i32
      %lt3A_277 = arith.cmpi slt, %add3A_267, %lt3A_276 : i32
      %convert_element_type3A_278 = arith.extui %lt3A_277 : i1 to i32
      %cond3A_279 = arith.constant 0 : i32
      %cond3A_280 = arith.cmpi ne, %convert_element_type3A_278, %cond3A_279 : i32
      scf.if %cond3A_280 {
        %dma_start3A_329 = arith.constant 0 : i32
        %dma_start3A_330 = tpu.memref_slice %arg5[%add3A_267, %dma_start3A_329] : memref<200x128xi32, #tpu.memory_space<vmem>> -> memref<1x128xi32, #tpu.memory_space<vmem>>
        %dma_start3A_331 = tpu.memref_squeeze %dma_start3A_330 : memref<1x128xi32, #tpu.memory_space<vmem>> -> memref<128xi32, #tpu.memory_space<vmem>>
        %dma_start3A_332 = arith.constant 0 : i32
        %dma_start3A_333 = arith.constant 0 : i32
        %dma_start3A_334 = tpu.memref_slice %arg3[%dma_start3A_332, %dma_start3A_333] : memref<1000000x64xf32, #tpu.memory_space<hbm>> -> memref<1000000x64xf32, #tpu.memory_space<hbm>>
        tpu.enqueue_indirect_dma source(%dma_start3A_334 : memref<1000000x64xf32, #tpu.memory_space<hbm>>) target(%arg8 : memref<128x64xf32, #tpu.memory_space<vmem>>) offsets(%dma_start3A_331 : memref<128xi32, #tpu.memory_space<vmem>>) semaphore(%arg16 : memref<!tpu.dma_semaphore, #tpu.memory_space<semaphore_mem>>)
      } else {
      }
      %dma_wait3A_281 = arith.constant 6 : i32
      %dma_wait3A_282 = arith.constant 0 : i32
      %dma_wait3A_283 = tpu.memref_slice %arg5[%dma_wait3A_281, %dma_wait3A_282] : memref<200x128xi32, #tpu.memory_space<vmem>> -> memref<1x128xi32, #tpu.memory_space<vmem>>
      %dma_wait3A_284 = tpu.memref_squeeze %dma_wait3A_283 : memref<1x128xi32, #tpu.memory_space<vmem>> -> memref<128xi32, #tpu.memory_space<vmem>>
      %dma_wait3A_285 = arith.constant 0 : i32
      %dma_wait3A_286 = arith.constant 0 : i32
      %dma_wait3A_287 = tpu.memref_slice %arg3[%dma_wait3A_285, %dma_wait3A_286] : memref<1000000x64xf32, #tpu.memory_space<hbm>> -> memref<1000000x64xf32, #tpu.memory_space<hbm>>
      tpu.wait_indirect_dma semaphore(%arg20 : memref<!tpu.dma_semaphore, #tpu.memory_space<semaphore_mem>>) src(%dma_wait3A_287 : memref<1000000x64xf32, #tpu.memory_space<hbm>>) dst(%arg12 : memref<128x64xf32, #tpu.memory_space<vmem>>)
      %mul3A_288 = arith.constant 128 : i32
      %mul3A_289 = arith.muli %add3A_265, %mul3A_288 : i32
      %add3A_290 = arith.addi %mul3A_2, %mul3A_289 : i32
      %dma_start3A_291 = arith.constant 0 : i32
      %dma_start3A_292 = tpu.memref_slice %arg4[%add3A_290, %dma_start3A_291] : memref<819200x64xf32, #tpu.memory_space<hbm>> -> memref<128x64xf32, #tpu.memory_space<hbm>>
      %dma_start3A_293 = arith.constant 0 : i32
      %dma_start3A_294 = tpu.memref_slice %arg4[%add3A_290, %dma_start3A_293] : memref<819200x64xf32, #tpu.memory_space<hbm>> -> memref<128x64xf32, #tpu.memory_space<hbm>>
      tpu.enqueue_dma source(%arg12 : memref<128x64xf32, #tpu.memory_space<vmem>>) target(%dma_start3A_294 : memref<128x64xf32, #tpu.memory_space<hbm>>) target_semaphore(%arg28 : memref<!tpu.dma_semaphore, #tpu.memory_space<semaphore_mem>>)
      %mul3A_295 = arith.constant 8 : i32
      %mul3A_296 = arith.muli %scan3A_67, %mul3A_295 : i32
      %add3A_297 = arith.constant 7 : i32
      %add3A_298 = arith.addi %mul3A_296, %add3A_297 : i32
      %add3A_299 = arith.constant 4 : i32
      %add3A_300 = arith.addi %add3A_298, %add3A_299 : i32
      %ge3A_301 = arith.constant 8 : i32
      %ge3A_302 = arith.cmpi sge, %add3A_300, %ge3A_301 : i32
      %lt3A_303 = arith.constant 200 : i32
      %lt3A_304 = arith.cmpi slt, %add3A_300, %lt3A_303 : i32
      %and3A_305 = arith.andi %ge3A_302, %lt3A_304 : i1
      %convert_element_type3A_306 = arith.extui %and3A_305 : i1 to i32
      %cond3A_307 = arith.constant 0 : i32
      %cond3A_308 = arith.cmpi ne, %convert_element_type3A_306, %cond3A_307 : i32
      scf.if %cond3A_308 {
        %dma_wait3A_329 = arith.constant 0 : i32
        %dma_wait3A_330 = tpu.memref_slice %arg4[%mul3A_2, %dma_wait3A_329] : memref<819200x64xf32, #tpu.memory_space<hbm>> -> memref<128x64xf32, #tpu.memory_space<hbm>>
        %dma_wait3A_331 = arith.constant 0 : i32
        %dma_wait3A_332 = tpu.memref_slice %arg4[%mul3A_2, %dma_wait3A_331] : memref<819200x64xf32, #tpu.memory_space<hbm>> -> memref<128x64xf32, #tpu.memory_space<hbm>>
        tpu.wait_dma2 semaphore(%arg25 : memref<!tpu.dma_semaphore, #tpu.memory_space<semaphore_mem>>) src(%arg9 : memref<128x64xf32, #tpu.memory_space<vmem>>) dst(%dma_wait3A_332 : memref<128x64xf32, #tpu.memory_space<hbm>>)
      } else {
      }
      %lt3A_309 = arith.constant 200 : i32
      %lt3A_310 = arith.cmpi slt, %add3A_300, %lt3A_309 : i32
      %convert_element_type3A_311 = arith.extui %lt3A_310 : i1 to i32
      %cond3A_312 = arith.constant 0 : i32
      %cond3A_313 = arith.cmpi ne, %convert_element_type3A_311, %cond3A_312 : i32
      scf.if %cond3A_313 {
        %dma_start3A_329 = arith.constant 0 : i32
        %dma_start3A_330 = tpu.memref_slice %arg5[%add3A_300, %dma_start3A_329] : memref<200x128xi32, #tpu.memory_space<vmem>> -> memref<1x128xi32, #tpu.memory_space<vmem>>
        %dma_start3A_331 = tpu.memref_squeeze %dma_start3A_330 : memref<1x128xi32, #tpu.memory_space<vmem>> -> memref<128xi32, #tpu.memory_space<vmem>>
        %dma_start3A_332 = arith.constant 0 : i32
        %dma_start3A_333 = arith.constant 0 : i32
        %dma_start3A_334 = tpu.memref_slice %arg3[%dma_start3A_332, %dma_start3A_333] : memref<1000000x64xf32, #tpu.memory_space<hbm>> -> memref<1000000x64xf32, #tpu.memory_space<hbm>>
        tpu.enqueue_indirect_dma source(%dma_start3A_334 : memref<1000000x64xf32, #tpu.memory_space<hbm>>) target(%arg9 : memref<128x64xf32, #tpu.memory_space<vmem>>) offsets(%dma_start3A_331 : memref<128xi32, #tpu.memory_space<vmem>>) semaphore(%arg17 : memref<!tpu.dma_semaphore, #tpu.memory_space<semaphore_mem>>)
      } else {
      }
      %dma_wait3A_314 = arith.constant 7 : i32
      %dma_wait3A_315 = arith.constant 0 : i32
      %dma_wait3A_316 = tpu.memref_slice %arg5[%dma_wait3A_314, %dma_wait3A_315] : memref<200x128xi32, #tpu.memory_space<vmem>> -> memref<1x128xi32, #tpu.memory_space<vmem>>
      %dma_wait3A_317 = tpu.memref_squeeze %dma_wait3A_316 : memref<1x128xi32, #tpu.memory_space<vmem>> -> memref<128xi32, #tpu.memory_space<vmem>>
      %dma_wait3A_318 = arith.constant 0 : i32
      %dma_wait3A_319 = arith.constant 0 : i32
      %dma_wait3A_320 = tpu.memref_slice %arg3[%dma_wait3A_318, %dma_wait3A_319] : memref<1000000x64xf32, #tpu.memory_space<hbm>> -> memref<1000000x64xf32, #tpu.memory_space<hbm>>
      tpu.wait_indirect_dma semaphore(%arg21 : memref<!tpu.dma_semaphore, #tpu.memory_space<semaphore_mem>>) src(%dma_wait3A_320 : memref<1000000x64xf32, #tpu.memory_space<hbm>>) dst(%arg13 : memref<128x64xf32, #tpu.memory_space<vmem>>)
      %mul3A_321 = arith.constant 128 : i32
      %mul3A_322 = arith.muli %add3A_298, %mul3A_321 : i32
      %add3A_323 = arith.addi %mul3A_2, %mul3A_322 : i32
      %dma_start3A_324 = arith.constant 0 : i32
      %dma_start3A_325 = tpu.memref_slice %arg4[%add3A_323, %dma_start3A_324] : memref<819200x64xf32, #tpu.memory_space<hbm>> -> memref<128x64xf32, #tpu.memory_space<hbm>>
      %dma_start3A_326 = arith.constant 0 : i32
      %dma_start3A_327 = tpu.memref_slice %arg4[%add3A_323, %dma_start3A_326] : memref<819200x64xf32, #tpu.memory_space<hbm>> -> memref<128x64xf32, #tpu.memory_space<hbm>>
      tpu.enqueue_dma source(%arg13 : memref<128x64xf32, #tpu.memory_space<vmem>>) target(%dma_start3A_327 : memref<128x64xf32, #tpu.memory_space<hbm>>) target_semaphore(%arg29 : memref<!tpu.dma_semaphore, #tpu.memory_space<semaphore_mem>>)
      %scan3A_328 = arith.constant 0 : i32
      scf.yield %scan3A_328 : i32
    }
    %scan3A_35 = arith.constant 25 : i32
    %dma_wait3A = arith.constant 0 : i32
    %dma_wait3A_36 = tpu.memref_slice %arg4[%mul3A_2, %dma_wait3A] : memref<819200x64xf32, #tpu.memory_space<hbm>> -> memref<128x64xf32, #tpu.memory_space<hbm>>
    %dma_wait3A_37 = arith.constant 0 : i32
    %dma_wait3A_38 = tpu.memref_slice %arg4[%mul3A_2, %dma_wait3A_37] : memref<819200x64xf32, #tpu.memory_space<hbm>> -> memref<128x64xf32, #tpu.memory_space<hbm>>
    tpu.wait_dma2 semaphore(%arg22 : memref<!tpu.dma_semaphore, #tpu.memory_space<semaphore_mem>>) src(%arg6 : memref<128x64xf32, #tpu.memory_space<vmem>>) dst(%dma_wait3A_38 : memref<128x64xf32, #tpu.memory_space<hbm>>)
    %dma_wait3A_39 = arith.constant 0 : i32
    %dma_wait3A_40 = tpu.memref_slice %arg4[%mul3A_2, %dma_wait3A_39] : memref<819200x64xf32, #tpu.memory_space<hbm>> -> memref<128x64xf32, #tpu.memory_space<hbm>>
    %dma_wait3A_41 = arith.constant 0 : i32
    %dma_wait3A_42 = tpu.memref_slice %arg4[%mul3A_2, %dma_wait3A_41] : memref<819200x64xf32, #tpu.memory_space<hbm>> -> memref<128x64xf32, #tpu.memory_space<hbm>>
    tpu.wait_dma2 semaphore(%arg23 : memref<!tpu.dma_semaphore, #tpu.memory_space<semaphore_mem>>) src(%arg7 : memref<128x64xf32, #tpu.memory_space<vmem>>) dst(%dma_wait3A_42 : memref<128x64xf32, #tpu.memory_space<hbm>>)
    %dma_wait3A_43 = arith.constant 0 : i32
    %dma_wait3A_44 = tpu.memref_slice %arg4[%mul3A_2, %dma_wait3A_43] : memref<819200x64xf32, #tpu.memory_space<hbm>> -> memref<128x64xf32, #tpu.memory_space<hbm>>
    %dma_wait3A_45 = arith.constant 0 : i32
    %dma_wait3A_46 = tpu.memref_slice %arg4[%mul3A_2, %dma_wait3A_45] : memref<819200x64xf32, #tpu.memory_space<hbm>> -> memref<128x64xf32, #tpu.memory_space<hbm>>
    tpu.wait_dma2 semaphore(%arg24 : memref<!tpu.dma_semaphore, #tpu.memory_space<semaphore_mem>>) src(%arg8 : memref<128x64xf32, #tpu.memory_space<vmem>>) dst(%dma_wait3A_46 : memref<128x64xf32, #tpu.memory_space<hbm>>)
    %dma_wait3A_47 = arith.constant 0 : i32
    %dma_wait3A_48 = tpu.memref_slice %arg4[%mul3A_2, %dma_wait3A_47] : memref<819200x64xf32, #tpu.memory_space<hbm>> -> memref<128x64xf32, #tpu.memory_space<hbm>>
    %dma_wait3A_49 = arith.constant 0 : i32
    %dma_wait3A_50 = tpu.memref_slice %arg4[%mul3A_2, %dma_wait3A_49] : memref<819200x64xf32, #tpu.memory_space<hbm>> -> memref<128x64xf32, #tpu.memory_space<hbm>>
    tpu.wait_dma2 semaphore(%arg25 : memref<!tpu.dma_semaphore, #tpu.memory_space<semaphore_mem>>) src(%arg9 : memref<128x64xf32, #tpu.memory_space<vmem>>) dst(%dma_wait3A_50 : memref<128x64xf32, #tpu.memory_space<hbm>>)
    %dma_wait3A_51 = arith.constant 0 : i32
    %dma_wait3A_52 = tpu.memref_slice %arg4[%mul3A_2, %dma_wait3A_51] : memref<819200x64xf32, #tpu.memory_space<hbm>> -> memref<128x64xf32, #tpu.memory_space<hbm>>
    %dma_wait3A_53 = arith.constant 0 : i32
    %dma_wait3A_54 = tpu.memref_slice %arg4[%mul3A_2, %dma_wait3A_53] : memref<819200x64xf32, #tpu.memory_space<hbm>> -> memref<128x64xf32, #tpu.memory_space<hbm>>
    tpu.wait_dma2 semaphore(%arg26 : memref<!tpu.dma_semaphore, #tpu.memory_space<semaphore_mem>>) src(%arg10 : memref<128x64xf32, #tpu.memory_space<vmem>>) dst(%dma_wait3A_54 : memref<128x64xf32, #tpu.memory_space<hbm>>)
    %dma_wait3A_55 = arith.constant 0 : i32
    %dma_wait3A_56 = tpu.memref_slice %arg4[%mul3A_2, %dma_wait3A_55] : memref<819200x64xf32, #tpu.memory_space<hbm>> -> memref<128x64xf32, #tpu.memory_space<hbm>>
    %dma_wait3A_57 = arith.constant 0 : i32
    %dma_wait3A_58 = tpu.memref_slice %arg4[%mul3A_2, %dma_wait3A_57] : memref<819200x64xf32, #tpu.memory_space<hbm>> -> memref<128x64xf32, #tpu.memory_space<hbm>>
    tpu.wait_dma2 semaphore(%arg27 : memref<!tpu.dma_semaphore, #tpu.memory_space<semaphore_mem>>) src(%arg11 : memref<128x64xf32, #tpu.memory_space<vmem>>) dst(%dma_wait3A_58 : memref<128x64xf32, #tpu.memory_space<hbm>>)
    %dma_wait3A_59 = arith.constant 0 : i32
    %dma_wait3A_60 = tpu.memref_slice %arg4[%mul3A_2, %dma_wait3A_59] : memref<819200x64xf32, #tpu.memory_space<hbm>> -> memref<128x64xf32, #tpu.memory_space<hbm>>
    %dma_wait3A_61 = arith.constant 0 : i32
    %dma_wait3A_62 = tpu.memref_slice %arg4[%mul3A_2, %dma_wait3A_61] : memref<819200x64xf32, #tpu.memory_space<hbm>> -> memref<128x64xf32, #tpu.memory_space<hbm>>
    tpu.wait_dma2 semaphore(%arg28 : memref<!tpu.dma_semaphore, #tpu.memory_space<semaphore_mem>>) src(%arg12 : memref<128x64xf32, #tpu.memory_space<vmem>>) dst(%dma_wait3A_62 : memref<128x64xf32, #tpu.memory_space<hbm>>)
    %dma_wait3A_63 = arith.constant 0 : i32
    %dma_wait3A_64 = tpu.memref_slice %arg4[%mul3A_2, %dma_wait3A_63] : memref<819200x64xf32, #tpu.memory_space<hbm>> -> memref<128x64xf32, #tpu.memory_space<hbm>>
    %dma_wait3A_65 = arith.constant 0 : i32
    %dma_wait3A_66 = tpu.memref_slice %arg4[%mul3A_2, %dma_wait3A_65] : memref<819200x64xf32, #tpu.memory_space<hbm>> -> memref<128x64xf32, #tpu.memory_space<hbm>>
    tpu.wait_dma2 semaphore(%arg29 : memref<!tpu.dma_semaphore, #tpu.memory_space<semaphore_mem>>) src(%arg13 : memref<128x64xf32, #tpu.memory_space<vmem>>) dst(%dma_wait3A_66 : memref<128x64xf32, #tpu.memory_space<hbm>>)
    return
  }
}

</mosaic_0001>

<sc_bundles>
// kernel: kernel.3.cloned.1.call-start
scs
__scs_entry_jumppad:
0x0: {  	(pc) =	sbr.rel $0x88, $3  }
0x1: {  	(tag) =	ssettag $0x0;
	lr =	simm.s32 $0x1  }
0x2: {  	[smem:$0x3F9F] =	sst lr;
	_ =	strace $0xD0000000  }
0x3: {  	_ = 	snop  }
0x4: {  	_ = 	snop  }
0x5: {  	_ = 	snop  }
0x6: {  	_ = 	snop  }
0x7: {  	_ = 	snop  }
__scs_overlays_trampoline_lowered:
0x8: {  	[smem:$0x3FAE] =	sst s0  }
0x9: {  	[smem:$0x3FAF] =	sst s1  }
0xa: {  	[smem:$0x3FB0] =	sst s2  }
0xb: {  	[smem:$0x3FB1] =	sst s3  }
0xc: {  	[smem:$0x3FB2] =	sst s4  }
0xd: {  	[smem:$0x3FB3] =	sst s5  }
0xe: {  	[smem:$0x3FB4] =	sst s6  }
0xf: {  	[smem:$0x3FB5] =	sst s7  }
0x10: {  	[smem:$0x3FB6] =	sst s8  }
0x11: {  	[smem:$0x3FB7] =	sst s9;
	s0 =	simm.s32 @!p0 $0x0  }
0x12: {  	s1 =	sld [smem:$0x3F9D];
	s0 =	simm.s32 @p0 $0x1  }
0x13: {  	[smem:$0x3FB8] =	sst s0;
	s0 =	simm.s32 @!p1 $0x0  }
0x14: {  	s2 =	sld [smem:$0x3F9C];
	s0 =	simm.s32 @p1 $0x1  }
0x15: {  	[smem:$0x3FB9] =	sst s0;
	s0 =	simm.s32 @!p2 $0x0  }
0x16: {  	s3 =	sld [smem:$0x3FDB];
	s0 =	simm.s32 @p2 $0x1  }
0x17: {  	s4 =	simm.s32 $0x1BF5;
	[smem:$0x3FBB] =	sst s0  }
0x18: {  	s0 =	sld [smem:$0x3F9E];
	_ =	swait.ge [sflag:s4], $0x0  }
0x19: {  	s7 =	sld [smem:$0x3F9F]  }
0x1a: {  	s8 =	sadd.s32 $0xFFFFE003, lr  }
0x1b: {  	s9 =	sadd.s32 $0xFFFFFEF7, lr;
	s5 =	simm.s32 $0xFFFFFFFF;
	p2 =	slt.u32 s8, $0xFFFFF086  }
0x1c: {  	p1 =	slt.u32 s9, $0xF7A;
	s5 =	simm.s32 @!p2 $0x0  }
0x1d: {  	s5 =	simm.s32 @p1 $0x1;
	p0 =	seq.s32 s7, s2  }
0x1e: {  	s7 =	smul.u32 @!p0 $0xF7A, s2;
	p2 =	seq.s32 @!p0 s5, $0x0  }
0x1f: {  	s9 =	smul.u32 $0xF7A, s1;
	s8 =	simm.s32 @!p0 $0x1BF5;
	p2 =	por !p2, p0  }
0x20: {  	[sflag:s8] =	ssyncset.s32 @!p0 $0xFFFFF086;
	s6 =	sadd.s32 @!p0 s3, s7;
	s7 =	simm.s32 @!p0 $0x108  }
0x21: {  	s3 =	sadd.s32 s3, s9;
	s6 =	sadd.s32 @!p0 $0x88, s6;
	s7 =	simm.s32 @p2 $0x1082  }
0x22: {  	[simem:s7], [sflag:s8] =	dma.local @!p0 [hbm:s6], $0xF7A  }
0x23: {  	s9 =	sor.u32 $0xD0000000, s2;
	s6 =	simm.s32 $0x108;
	_ =	swait.ge @!p0 [sflag:s8], $0x0  }
0x24: {  	s3 =	sadd.s32 $0x88, s3;
	s6 =	simm.s32 @!p1 $0x1082;
	[sflag:s4] =	ssyncset.s32 $0xFFFFF086  }
0x25: {  	[simem:s6], [sflag:s4] =	dma.local [hbm:s3], $0xF7A  }
0x26: {  	[smem:$0x3F9F] =	sst s1;
	(tag) =	ssettag s2;
	_ =	strace s9  }
0x27: {  	s1 =	sld [smem:$0x3FAF]  }
0x28: {  	s2 =	sld [smem:$0x3FB0]  }
0x29: {  	s4 =	sld [smem:$0x3FB2]  }
0x2a: {  	p0 =	seq.s32 s5, $0x0;
	s5 =	sld [smem:$0x3FB3]  }
0x2b: {  	s6 =	sld [smem:$0x3FB4]  }
0x2c: {  	s7 =	sld [smem:$0x3FB5]  }
0x2d: {  	s3 =	simm.s32 $0x108;
	s8 =	sld [smem:$0x3FB6]  }
0x2e: {  	s3 =	simm.s32 @!p0 $0x1082;
	s9 =	sld [smem:$0x3FB7]  }
0x2f: {  	lr =	sadd.s32 s0, s3;
	s0 =	sld [smem:$0x3FAE]  }
0x30: {  	s3 =	sld [smem:$0x3FB1]  }
0x31: {  	[smem:$0x3FBA] =	sst s10  }
0x32: {  	s10 =	sld [smem:$0x3FB8];
	_ =	sdelay $0x3  }
0x33: {  	p0 =	seq.s32 s10, $0x1;
	s10 =	sld [smem:$0x3FBA];
	_ =	sdelay $0x3  }
0x34: {  	[smem:$0x3FBA] =	sst s10  }
0x35: {  	s10 =	sld [smem:$0x3FB9];
	_ =	sdelay $0x3  }
0x36: {  	p1 =	seq.s32 s10, $0x1;
	s10 =	sld [smem:$0x3FBA];
	_ =	sdelay $0x3  }
0x37: {  	[smem:$0x3FBA] =	sst s10  }
0x38: {  	s10 =	sld [smem:$0x3FBB]  }
0x39: {  	_ = 	snop;
	(pc) =	sbr.ind lr, $3  }
0x3a: {  	_ = 	snop  }
0x3b: {  	_ = 	snop  }
0x3c: {  	p2 =	seq.s32 s10, $0x1;
	s10 =	sld [smem:$0x3FBA]  }
0x3d: {  	_ =	shalt  }
0x3e: {  	_ =	shalt  }
0x3f: {  	_ =	shalt  }
0x40: {  	_ =	shalt  }
0x41: {  	_ =	shalt  }
0x42: {  	_ =	shalt  }
0x43: {  	_ =	shalt  }
0x44: {  	_ =	shalt  }
0x45: {  	_ =	shalt  }
0x46: {  	_ =	shalt  }
0x47: {  	_ =	shalt  }
0x48: {  	_ =	shalt  }
0x49: {  	_ =	shalt  }
0x4a: {  	_ =	shalt  }
0x4b: {  	_ =	shalt  }
0x4c: {  	_ =	shalt  }
0x4d: {  	_ =	shalt  }
0x4e: {  	_ =	shalt  }
0x4f: {  	_ =	shalt  }
0x50: {  	_ =	shalt  }
0x51: {  	_ =	shalt  }
0x52: {  	_ =	shalt  }
0x53: {  	_ =	shalt  }
0x54: {  	_ =	shalt  }
0x55: {  	_ =	shalt  }
0x56: {  	_ =	shalt  }
0x57: {  	_ =	shalt  }
0x58: {  	_ =	shalt  }
0x59: {  	_ =	shalt  }
0x5a: {  	_ =	shalt  }
0x5b: {  	_ =	shalt  }
0x5c: {  	_ =	shalt  }
0x5d: {  	_ =	shalt  }
0x5e: {  	_ =	shalt  }
0x5f: {  	_ =	shalt  }
0x60: {  	_ =	shalt  }
0x61: {  	_ =	shalt  }
0x62: {  	_ =	shalt  }
0x63: {  	_ =	shalt  }
0x64: {  	_ =	shalt  }
0x65: {  	_ =	shalt  }
0x66: {  	_ =	shalt  }
0x67: {  	_ =	shalt  }
0x68: {  	_ =	shalt  }
0x69: {  	_ =	shalt  }
0x6a: {  	_ =	shalt  }
0x6b: {  	_ =	shalt  }
0x6c: {  	_ =	shalt  }
0x6d: {  	_ =	shalt  }
0x6e: {  	_ =	shalt  }
0x6f: {  	_ =	shalt  }
0x70: {  	_ =	shalt  }
0x71: {  	_ =	shalt  }
0x72: {  	_ =	shalt  }
0x73: {  	_ =	shalt  }
0x74: {  	_ =	shalt  }
0x75: {  	_ =	shalt  }
0x76: {  	_ =	shalt  }
0x77: {  	_ =	shalt  }
0x78: {  	_ =	shalt  }
0x79: {  	_ =	shalt  }
0x7a: {  	_ =	shalt  }
0x7b: {  	_ =	shalt  }
0x7c: {  	_ =	shalt  }
0x7d: {  	_ =	shalt  }
0x7e: {  	_ =	shalt  }
0x7f: {  	_ =	shalt  }
0x80: {  	_ =	shalt  }
0x81: {  	_ =	shalt  }
0x82: {  	_ =	shalt  }
0x83: {  	_ =	shalt  }
0x84: {  	_ =	shalt  }
0x85: {  	_ =	shalt  }
0x86: {  	_ =	shalt  }
0x87: {  	_ =	shalt  }
.Lfunc_end0:
.L_simem_size_0:
called_computation.1_lowered:
.L_overlay_start_0:
0x88: {  	s2 =	sld [smem:$0x3FD9]  }
0x89: {  	s3 =	sld [smem:$0x3FFE];
	_ =	sdelay $0x1  }
0x8a: {  	s1 =	srdreg.scid  }
0x8b: {  	s0 =	sand.u32 $0x1, s1  }
0x8c: {  	s17 =	sshll.u32 s0, $0xA;
	s2 =	sadd.s32 s3, s2  }
0x8d: {  	s2 =	sadd.s32 s2, s17  }
0x8e: {  	[smem:$0x3FC6] =	sst s2  }
0x8f: {  	_ = 	snop  }
0x90: {  	s2 =	sld [smem:$0x3FD0];
	(tm) =	ssettm $0x1  }
0x91: {  	s18 =	sld [smem:$0x3FFB];
	_ =	sdelay $0x3  }
0x92: {  	_ =	strace s18  }
0x93: {  	s3 =	sld [smem:$0x3FFC];
	_ =	sdelay $0x3  }
0x94: {  	_ =	strace s3  }
0x95: {  	s3 =	sld [smem:$0x3FFD];
	_ =	sdelay $0x3  }
0x96: {  	_ =	strace s3  }
0x97: {  	_ =	strace $0x8FFFFFFF  }
0x98: {  	s19 =	sld [smem:$0x3FDB];
	_ =	sdelay $0x1  }
0x99: {  	s4 =	simm.s32 $_scs_section_size  }
0x9a: {  	s5 =	simm.s32 $_size__tile_overlayer_lowered;
	s6 =	simm.s32 $_tile_overlayer_lowered  }
0x9b: {  	s22 =	simm.s32 $0x1BFF;
	s21 =	sshll.u32 s6, $0x1;
	s3 =	sadd.s32 s4, s19  }
0x9c: {  	s7 =	simm.s32 $0x0;
	s20 =	sshll.u32 s5, $0x1;
	s5 =	sadd.s32 s21, s3  }
0x9d: {  	[timem:s7], [sflag:s22] =	dma.local [hbm:s5], s20  }
0x9e: {  	_ =	swait.ge [sflag:s22], s20  }
0x9f: {  	s4 =	ssub.s32 $0x0, s20;
	[sflag:s22] =	ssyncset.done $0x0  }
0xa0: {  	[sflag:s22] =	ssyncadd.s32 s4;
	_ =	sdelay $0x1  }
0xa1: {  	s23 =	simm.s32 $0x1B8B  }
0xa2: {  	_ =	swait.ge [sflag:s23], $0x1  }
0xa3: {  	[sflag:s23] =	ssyncset.done $0x0  }
0xa4: {  	s25 =	simm.s32 $0x1B8E;
	s24 =	sld [smem:$0x3FFE];
	[sflag:s23] =	ssyncadd.s32 $0xFFFFFFFF  }
0xa5: {  	s26 =	simm.s32 $execute0_lowered;
	[smem:$0x3FD2] =	sst s25  }
0xa6: {  	s5 =	sshll.u32 s26, $0x1;
	_ =	strace $0x80000046;
	[dreg:$0x1] =	wrdreg $0xFFFFFFFF  }
0xa7: {  	s28 =	simm.s32 $_size_execute0_lowered;
	s3 =	sadd.s32 s3, s5;
	[dreg:$0x0] =	wrdreg $0x0  }
0xa8: {  	s5 =	sshll.u32 s28, $0x1;
	[dreg:$0x2] =	wrdreg s3  }
0xa9: {  	[dreg:$0x3] =	wrdreg s5  }
0xaa: {  	[dreg:$0x4] =	wrdreg $0xC0  }
0xab: {  	_ =	task [dreg:s7], $0x5FFFF  }
0xac: {  	[dreg:$0x1] =	wrdreg $0xFFFFFFFF  }
0xad: {  	[dreg:$0x0] =	wrdreg $0x60  }
0xae: {  	[dreg:$0x2] =	wrdreg s24  }
0xaf: {  	[dreg:$0x3] =	wrdreg s2  }
0xb0: {  	[dreg:$0x4] =	wrdreg $0x9  }
0xb1: {  	_ =	task.clear_ibuf [dreg:s7], $0x5FFFF;
	_ =	strace $0x90000046  }
0xb2: {  	s29 =	simm.s32 $0x9;
	_ =	strace $0x80000048  }
0xb3: {  	_ =	swait.ge [sflag:s29], $0x1  }
0xb4: {  	[sflag:s29] =	ssyncadd.s32 $0xFFFFFFFF  }
0xb5: {  	_ =	strace $0x90000048  }
0xb6: {  	_ =	sfence  }
0xb7: {  	s30 =	sld [smem:$0x0];
	_ =	sdelay $0x2  }
0xb8: {  	s31 =	sshll.u32 s1, $0xD;
	s1 =	sshrl.u32 s1, $0x2  }
0xb9: {  	s3 =	sand.u32 $0x4000, s31;
	s1 =	sadd.s32 s1, s30  }
0xba: {  	s0 =	sor.u32 s3, s0;
	s1 =	sshll.u32 s1, $0x11  }
0xbb: {  	s0 =	sor.u32 s1, s0  }
0xbc: {  	s0 =	sadd.s32 $0x8F2B, s0  }
0xbd: {  	[sflag:s0] =	ssyncadd.remote.s32 $0x1  }
0xbe: {  	_ =	sfence.sel $0xFFFF  }
0xbf: {  	[dreg:$0x0] =	wrdreg $0xFFFFFFFF;
	(pc) =	sbr.abs _section_cstart, $3  }
0xc0: {  	[dreg:$0x1] =	wrdreg $0xFFFFFFFF  }
0xc1: {  	_ =	task.clear_ibuf [dreg:s7], $0x2FFFF;
	_ =	strace $0x9FFFFFFF  }
0xc2: {  	(tm) =	ssettm $0x7FFFFFFF  }
0xc3: {  	_ =	shalt  }
tec
execute0_lowered:
.L_overlay_start_1:
0x0: {  	(tag) =	ssettag $0x1  }
0x1: {  	s0 =	srdreg.scid;
	s4 =	stileid.u32  }
0x2: {  	s2 =	rddreg [dreg:$0x0];
	s3 =	simm.s32 $0x0;
	s9 =	simm.s32 $0x6400  }
0x3: {  	s10 =	simm.s32 $0x8400;
	s12 =	simm.s32 $0xA400;
	s14 =	simm.s32 $0xC400  }
0x4: {  	s15 =	simm.s32 $0xE400;
	s16 =	simm.s32 $0x1;
	s5 =	smul.u32 $0x320000, s4  }
0x5: {  	s0 =	sand.u32 $0x1, s0;
	s1 =	sshll.u32 s4, $0x1;
	s7 =	smul.u32 $0xC800, s4  }
0x6: {  	[smem:$0x7FF] =	sst s3;
	s4 =	sadd.s32 $0xF42E00, s2;
	s6 =	smul.u32 $0x190000, s0  }
0x7: {  	s1 =	sor.u32 s0, s1;
	s8 =	smul.u32 $0x6400, s0;
	s0 =	ssub.s32 $0x2, s0  }
0x8: {  	_ =	strace $0x80000047;
	s1 =	smul.u32 $0x6400, s1;
	s19 =	sshrl.u32 s0, $0x1  }
0x9: {  	s17 =	sadd.s32 s6, s5;
	s18 =	sadd.s32 s8, s7;
	s0 =	ssub.s32 s0, s19  }
0xa: {  	s8 =	simm.s32 $0x80;
	s19 =	simm.s32 $0x12400;
	s1 =	sshrl.u32 s1, $0x3  }
0xb: {  	s20 =	sshrl.u32 s17, $0x3;
	s5 =	sshll.u32 s18, $0x3;
	s24 =	sor.u32 $0xE000, s17  }
0xc: {  	s26 =	sor.u32 $0xC000, s17;
	s29 =	sor.u32 $0xA000, s17;
	s0 =	smax.u32 s0, $0x1  }
0xd: {  	s18 =	simm.s32 $0x2;
	s1 =	sadd.s32 s1, s2;
	[dreg:$0x3] =	wrdreg s20  }
0xe: {  	s21 =	sor.u32 $0xC00, s5;
	s22 =	sor.u32 $0x800, s5;
	[dreg:$0xc] =	wrdreg s0  }
0xf: {  	s23 =	sor.u32 $0x400, s5;
	s25 =	sshrl.u32 s24, $0x3;
	[dreg:$0x4] =	wrdreg s21  }
0x10: {  	s28 =	sshrl.u32 s26, $0x3;
	s30 =	sshrl.u32 s29, $0x3;
	[dreg:$0x5] =	wrdreg s22  }
0x11: {  	s2 =	sor.u32 $0x8000, s17;
	s17 =	simm.s32 $0x10400;
	[dreg:$0x6] =	wrdreg s23  }
0x12: {  	s20 =	simm.s32 $0x3;
	s24 =	simm.s32 $0x6;
	[dreg:$0x7] =	wrdreg s25  }
0x13: {  	s26 =	simm.s32 $0x8;
	s1 =	sadd.s32 $0xA00, s1;
	[dreg:$0x8] =	wrdreg s28  }
0x14: {  	[dreg:$0x9] =	wrdreg s30;
	s31 =	sshrl.u32 s2, $0x3;
	s21 =	simm.s32 $0x14400  }
0x15: {  	s22 =	simm.s32 $0x4;
	s23 =	simm.s32 $0x5;
	[dreg:$0xb] =	wrdreg s1  }
0x16: {  	s25 =	simm.s32 $0x7;
	s2 =	simm.s32 $0x0;
	[dreg:$0xa] =	wrdreg s31  }
.LBB2_1:
0x17: {  	[dreg:$0xd] =	wrdreg s2  }
0x18: {  	s0 =	rddreg [dreg:$0xb];
	s6 =	simm.s32 $0x11  }
0x19: {  	[tilespmem:s3], [sflag:$0x11] =	stream.linear.gather [hbm4b:s0+s3], $0x6400, $0x38;
	[tilespmem:$0x16400] =	vst v63  }
0x1a: {  	_ =	swait.ge [sflag:s6], $0x6400  }
0x1b: {  	[sflag:s6] =	ssyncset.done $0x0  }
0x1c: {  	[sflag:s6] =	ssyncadd.s32 $0xFFFF9C00  }
0x1d: {  	[tilespmem:s9], [sflag:$0x1] =	stream.indirect.gather [hbm4b:s4+s8], $0x40, s3, s8, $0xb8;
	[tilespmem:$0x16400] =	vst v63  }
0x1e: {  	p0 =	por $0x1, $0x1  }
0x1f: {  	[tilespmem:s10], [sflag:$0x2] =	stream.indirect.gather [hbm4b:s4+s8], $0x40, s8, s8, $0xb8;
	[tilespmem:$0x16400] =	vst v63  }
0x20: {  	s7 =	simm.s32 $0x100;
	p0 =	por p0, p0  }
0x21: {  	[tilespmem:s12], [sflag:$0x3] =	stream.indirect.gather [hbm4b:s4+s8], $0x40, s7, s8, $0xb8;
	[tilespmem:$0x16400] =	vst v63  }
0x22: {  	s11 =	simm.s32 $0x180;
	s0 =	simm.s32 @!p0 $0xD  }
0x23: {  	[tilespmem:s14], [sflag:$0x4] =	stream.indirect.gather [hbm4b:s4+s8], $0x40, s11, s8, $0xb8;
	[tilespmem:$0x16400] =	vst v63  }
0x24: {  	_ =	swait.ge @!p0 [sflag:s0], $0x2000  }
0x25: {  	[sflag:s0] =	ssyncset.done @!p0 $0x0  }
0x26: {  	s13 =	simm.s32 $0x200;
	[sflag:s0] =	ssyncadd.s32 @!p0 $0xFFFFE000  }
0x27: {  	[tilespmem:s15], [sflag:$0x5] =	stream.indirect.gather [hbm4b:s4+s8], $0x40, s13, s8, $0xb8;
	[tilespmem:$0x16400] =	vst v63  }
0x28: {  	_ =	swait.ge [sflag:s16], $0x2000  }
0x29: {  	[sflag:s16] =	ssyncset.done $0x0  }
0x2a: {  	s30 =	rddreg [dreg:$0x3];
	[sflag:s16] =	ssyncadd.s32 $0xFFFFE000  }
0x2b: {  	s5 =	rddreg [dreg:$0x1]  }
0x2c: {  	s1 =	simm.s32 @!p0 $0xE;
	s0 =	sadd.s32 s5, s30  }
0x2d: {  	[hbm4b:s0+s3] =	stream.linear.scatter [tilespmem:s9], [sflag:$0x9], $0x2000, $0x38;
	[tilespmem:$0x16400] =	vst v63  }
0x2e: {  	_ =	swait.ge @!p0 [sflag:s1], $0x2000  }
0x2f: {  	[sflag:s1] =	ssyncset.done @!p0 $0x0  }
0x30: {  	s31 =	simm.s32 $0x280;
	[sflag:s1] =	ssyncadd.s32 @!p0 $0xFFFFE000  }
0x31: {  	[tilespmem:s17], [sflag:$0x6] =	stream.indirect.gather [hbm4b:s4+s8], $0x40, s31, s8, $0xb8;
	[tilespmem:$0x16400] =	vst v63  }
0x32: {  	_ =	swait.ge [sflag:s18], $0x2000  }
0x33: {  	s1 =	rddreg [dreg:$0x6];
	[sflag:s18] =	ssyncset.done $0x0  }
0x34: {  	[sflag:s18] =	ssyncadd.s32 $0xFFFFE000;
	s0 =	sadd.s32 s5, s1;
	s1 =	simm.s32 @!p0 $0xF  }
0x35: {  	[hbm4b:s0+s3] =	stream.linear.scatter [tilespmem:s10], [sflag:$0xA], $0x2000, $0x38;
	[tilespmem:$0x16400] =	vst v63  }
0x36: {  	_ =	swait.ge @!p0 [sflag:s1], $0x2000  }
0x37: {  	[sflag:s1] =	ssyncset.done @!p0 $0x0  }
0x38: {  	s2 =	simm.s32 $0x300;
	[sflag:s1] =	ssyncadd.s32 @!p0 $0xFFFFE000  }
0x39: {  	[tilespmem:s19], [sflag:$0x7] =	stream.indirect.gather [hbm4b:s4+s8], $0x40, s2, s8, $0xb8;
	[tilespmem:$0x16400] =	vst v63  }
0x3a: {  	_ =	swait.ge [sflag:s20], $0x2000  }
0x3b: {  	s6 =	rddreg [dreg:$0x5];
	[sflag:s20] =	ssyncset.done $0x0  }
0x3c: {  	p0 =	por $0x1, $0x1;
	[sflag:s20] =	ssyncadd.s32 $0xFFFFE000;
	s0 =	sadd.s32 s5, s6  }
0x3d: {  	[hbm4b:s0+s3] =	stream.linear.scatter [tilespmem:s12], [sflag:$0xB], $0x2000, $0x38;
	[tilespmem:$0x16400] =	vst v63  }
0x3e: {  	s0 =	simm.s32 @!p0 $0x10  }
0x3f: {  	_ =	swait.ge @!p0 [sflag:s0], $0x2000  }
0x40: {  	[sflag:s0] =	ssyncset.done @!p0 $0x0  }
0x41: {  	s7 =	simm.s32 $0x380;
	[sflag:s0] =	ssyncadd.s32 @!p0 $0xFFFFE000  }
0x42: {  	[tilespmem:s21], [sflag:$0x8] =	stream.indirect.gather [hbm4b:s4+s8], $0x40, s7, s8, $0xb8;
	[tilespmem:$0x16400] =	vst v63  }
0x43: {  	_ =	swait.ge [sflag:s22], $0x2000  }
0x44: {  	p0 =	por $0x0, $0x0;
	s11 =	rddreg [dreg:$0x4];
	[sflag:s22] =	ssyncset.done $0x0  }
0x45: {  	s1 =	simm.s32 @!p0 $0x9;
	[sflag:s22] =	ssyncadd.s32 $0xFFFFE000;
	s0 =	sadd.s32 s5, s11  }
0x46: {  	[hbm4b:s0+s3] =	stream.linear.scatter [tilespmem:s14], [sflag:$0xC], $0x2000, $0x38;
	[tilespmem:$0x16400] =	vst v63  }
0x47: {  	_ =	swait.ge @!p0 [sflag:s1], $0x2000  }
0x48: {  	s2 =	simm.s32 @!p0 $0x80;
	[sflag:s1] =	ssyncset.done @!p0 $0x0  }
0x49: {  	s6 =	simm.s32 @!p0 $0x6400;
	s0 =	simm.s32 @!p0 $0x400;
	[sflag:s1] =	ssyncadd.s32 @!p0 $0xFFFFE000  }
0x4a: {  	[tilespmem:s6], [sflag:$0x1] =	stream.indirect.gather @!p0 [hbm4b:s4+s2], $0x40, s0, s2, $0xb8;
	[tilespmem:$0x16400] =	vst v63  }
0x4b: {  	_ =	swait.ge [sflag:s23], $0x2000  }
0x4c: {  	s13 =	rddreg [dreg:$0xa];
	[sflag:s23] =	ssyncset.done $0x0  }
0x4d: {  	s1 =	simm.s32 @!p0 $0xA;
	[sflag:s23] =	ssyncadd.s32 $0xFFFFE000;
	s0 =	sadd.s32 s5, s13  }
0x4e: {  	[hbm4b:s0+s3] =	stream.linear.scatter [tilespmem:s15], [sflag:$0xD], $0x2000, $0x38;
	[tilespmem:$0x16400] =	vst v63  }
0x4f: {  	_ =	swait.ge @!p0 [sflag:s1], $0x2000  }
0x50: {  	[sflag:s1] =	ssyncset.done @!p0 $0x0  }
0x51: {  	s6 =	simm.s32 @!p0 $0x8400;
	s0 =	simm.s32 @!p0 $0x480;
	[sflag:s1] =	ssyncadd.s32 @!p0 $0xFFFFE000  }
0x52: {  	[tilespmem:s6], [sflag:$0x2] =	stream.indirect.gather @!p0 [hbm4b:s4+s2], $0x40, s0, s2, $0xb8;
	[tilespmem:$0x16400] =	vst v63  }
0x53: {  	_ =	swait.ge [sflag:s24], $0x2000  }
0x54: {  	s30 =	rddreg [dreg:$0x9];
	[sflag:s24] =	ssyncset.done $0x0  }
0x55: {  	s1 =	simm.s32 @!p0 $0xB;
	[sflag:s24] =	ssyncadd.s32 $0xFFFFE000;
	s0 =	sadd.s32 s5, s30  }
0x56: {  	[hbm4b:s0+s3] =	stream.linear.scatter [tilespmem:s17], [sflag:$0xE], $0x2000, $0x38;
	[tilespmem:$0x16400] =	vst v63  }
0x57: {  	_ =	swait.ge @!p0 [sflag:s1], $0x2000  }
0x58: {  	[sflag:s1] =	ssyncset.done @!p0 $0x0  }
0x59: {  	s6 =	simm.s32 @!p0 $0xA400;
	s0 =	simm.s32 @!p0 $0x500;
	[sflag:s1] =	ssyncadd.s32 @!p0 $0xFFFFE000  }
0x5a: {  	[tilespmem:s6], [sflag:$0x3] =	stream.indirect.gather @!p0 [hbm4b:s4+s2], $0x40, s0, s2, $0xb8;
	[tilespmem:$0x16400] =	vst v63  }
0x5b: {  	_ =	swait.ge [sflag:s25], $0x2000  }
0x5c: {  	s31 =	rddreg [dreg:$0x8];
	[sflag:s25] =	ssyncset.done $0x0  }
0x5d: {  	s1 =	simm.s32 @!p0 $0xC;
	[sflag:s25] =	ssyncadd.s32 $0xFFFFE000;
	s0 =	sadd.s32 s5, s31  }
0x5e: {  	[hbm4b:s0+s3] =	stream.linear.scatter [tilespmem:s19], [sflag:$0xF], $0x2000, $0x38;
	[tilespmem:$0x16400] =	vst v63  }
0x5f: {  	_ =	swait.ge @!p0 [sflag:s1], $0x2000  }
0x60: {  	s28 =	simm.s32 $0x0;
	p6 =	por $0x0, $0x0;
	[sflag:s1] =	ssyncset.done @!p0 $0x0  }
0x61: {  	s6 =	simm.s32 @!p0 $0xC400;
	s0 =	simm.s32 @!p0 $0x580;
	[sflag:s1] =	ssyncadd.s32 @!p0 $0xFFFFE000  }
0x62: {  	[tilespmem:s6], [sflag:$0x4] =	stream.indirect.gather @!p0 [hbm4b:s4+s2], $0x40, s0, s2, $0xb8;
	[tilespmem:$0x16400] =	vst v63  }
0x63: {  	s29 =	simm.s32 $0x2000;
	s7 =	simm.s32 $0x1000;
	_ =	swait.ge [sflag:s26], $0x2000  }
0x64: {  	p0 =	por p6, p6;
	s6 =	sadd.s32 $0x2000, s5;
	[sflag:s26] =	ssyncset.done $0x0  }
0x65: {  	s2 =	smov.u32 s5;
	s0 =	rddreg [dreg:$0x7];
	[sflag:s26] =	ssyncadd.s32 $0xFFFFE000  }
.LBB2_2:
0x66: {  	s11 =	simm.s32 @!p0 $0xD;
	s0 =	sadd.s32 s2, s0  }
0x67: {  	[hbm4b:s0+s3] =	stream.linear.scatter [tilespmem:s21], [sflag:$0x10], $0x2000, $0x38;
	[tilespmem:$0x16400] =	vst v63  }
0x68: {  	_ =	swait.ge @!p0 [sflag:s11], $0x2000  }
0x69: {  	s1 =	sshra.s32 s7, $0x2;
	[sflag:s11] =	ssyncset.done @!p0 $0x0  }
0x6a: {  	s30 =	sadd.s32 $0x200, s1;
	[sflag:s11] =	ssyncadd.s32 @!p0 $0xFFFFE000  }
0x6b: {  	[tilespmem:s15], [sflag:$0x5] =	stream.indirect.gather [hbm4b:s4+s8], $0x40, s30, s8, $0xb8;
	[tilespmem:$0x16400] =	vst v63  }
0x6c: {  	_ =	swait.ge [sflag:s16], $0x2000  }
0x6d: {  	s5 =	rddreg [dreg:$0x3];
	[sflag:s16] =	ssyncset.done $0x0  }
0x6e: {  	s11 =	simm.s32 @!p0 $0xE;
	[sflag:s16] =	ssyncadd.s32 $0xFFFFE000;
	s0 =	sadd.s32 s6, s5  }
0x6f: {  	[hbm4b:s0+s3] =	stream.linear.scatter [tilespmem:s9], [sflag:$0x9], $0x2000, $0x38;
	[tilespmem:$0x16400] =	vst v63  }
0x70: {  	_ =	swait.ge @!p0 [sflag:s11], $0x2000  }
0x71: {  	[sflag:s11] =	ssyncset.done @!p0 $0x0  }
0x72: {  	[sflag:s11] =	ssyncadd.s32 @!p0 $0xFFFFE000;
	s11 =	sadd.s32 $0x280, s1  }
0x73: {  	[tilespmem:s17], [sflag:$0x6] =	stream.indirect.gather [hbm4b:s4+s8], $0x40, s11, s8, $0xb8;
	[tilespmem:$0x16400] =	vst v63  }
0x74: {  	_ =	swait.ge [sflag:s18], $0x2000  }
0x75: {  	s13 =	rddreg [dreg:$0x6];
	[sflag:s18] =	ssyncset.done $0x0  }
0x76: {  	s11 =	simm.s32 @!p0 $0xF;
	[sflag:s18] =	ssyncadd.s32 $0xFFFFE000;
	s0 =	sadd.s32 s6, s13  }
0x77: {  	[hbm4b:s0+s3] =	stream.linear.scatter [tilespmem:s10], [sflag:$0xA], $0x2000, $0x38;
	[tilespmem:$0x16400] =	vst v63  }
0x78: {  	_ =	swait.ge @!p0 [sflag:s11], $0x2000  }
0x79: {  	[sflag:s11] =	ssyncset.done @!p0 $0x0  }
0x7a: {  	s28 =	sadd.s32 $0x8, s28;
	s30 =	sadd.s32 $0x300, s1;
	[sflag:s11] =	ssyncadd.s32 @!p0 $0xFFFFE000  }
0x7b: {  	[tilespmem:s19], [sflag:$0x7] =	stream.indirect.gather [hbm4b:s4+s8], $0x40, s30, s8, $0xb8;
	[tilespmem:$0x16400] =	vst v63  }
0x7c: {  	p2 =	sgt.u32 s28, $0xBF;
	_ =	swait.ge [sflag:s20], $0x2000  }
0x7d: {  	p0 =	por p2, p2;
	s5 =	rddreg [dreg:$0x5];
	[sflag:s20] =	ssyncset.done $0x0  }
0x7e: {  	p2 =	seq.s32 s7, $0x0;
	[sflag:s20] =	ssyncadd.s32 $0xFFFFE000;
	s0 =	sadd.s32 s6, s5  }
0x7f: {  	[hbm4b:s0+s3] =	stream.linear.scatter [tilespmem:s12], [sflag:$0xB], $0x2000, $0x38;
	[tilespmem:$0x16400] =	vst v63  }
0x80: {  	s0 =	simm.s32 @!p2 $0x10  }
0x81: {  	_ =	swait.ge @!p2 [sflag:s0], $0x2000  }
0x82: {  	[sflag:s0] =	ssyncset.done @!p2 $0x0  }
0x83: {  	s1 =	sadd.s32 $0x380, s1;
	[sflag:s0] =	ssyncadd.s32 @!p2 $0xFFFFE000  }
0x84: {  	[tilespmem:s21], [sflag:$0x8] =	stream.indirect.gather [hbm4b:s4+s8], $0x40, s1, s8, $0xb8;
	[tilespmem:$0x16400] =	vst v63  }
0x85: {  	_ =	swait.ge [sflag:s22], $0x2000  }
0x86: {  	p2 =	seq.s32 s7, $0x18000;
	s11 =	rddreg [dreg:$0x4];
	[sflag:s22] =	ssyncset.done $0x0  }
0x87: {  	[sflag:s22] =	ssyncadd.s32 $0xFFFFE000;
	s0 =	sadd.s32 s6, s11;
	s11 =	simm.s32 @!p2 $0x9  }
0x88: {  	[hbm4b:s0+s3] =	stream.linear.scatter [tilespmem:s14], [sflag:$0xC], $0x2000, $0x38;
	[tilespmem:$0x16400] =	vst v63  }
0x89: {  	_ =	swait.ge @!p2 [sflag:s11], $0x2000  }
0x8a: {  	s7 =	sshra.s32 @!p2 s7, $0x2;
	s1 =	simm.s32 @!p2 $0x80;
	[sflag:s11] =	ssyncset.done @!p2 $0x0  }
0x8b: {  	s5 =	simm.s32 @!p2 $0x6400;
	s13 =	sadd.s32 @!p2 $0x400, s7;
	[sflag:s11] =	ssyncadd.s32 @!p2 $0xFFFFE000  }
0x8c: {  	[tilespmem:s5], [sflag:$0x1] =	stream.indirect.gather @!p2 [hbm4b:s4+s1], $0x40, s13, s1, $0xb8;
	[tilespmem:$0x16400] =	vst v63  }
0x8d: {  	_ =	swait.ge [sflag:s23], $0x2000  }
0x8e: {  	s13 =	rddreg [dreg:$0xa];
	[sflag:s23] =	ssyncset.done $0x0  }
0x8f: {  	[sflag:s23] =	ssyncadd.s32 $0xFFFFE000;
	s5 =	sadd.s32 s6, s13;
	s13 =	simm.s32 @!p2 $0xA  }
0x90: {  	[hbm4b:s5+s3] =	stream.linear.scatter [tilespmem:s15], [sflag:$0xD], $0x2000, $0x38;
	[tilespmem:$0x16400] =	vst v63  }
0x91: {  	_ =	swait.ge @!p2 [sflag:s13], $0x2000  }
0x92: {  	[sflag:s13] =	ssyncset.done @!p2 $0x0  }
0x93: {  	s30 =	sadd.s32 @!p2 $0x480, s7;
	s5 =	simm.s32 @!p2 $0x8400;
	[sflag:s13] =	ssyncadd.s32 @!p2 $0xFFFFE000  }
0x94: {  	[tilespmem:s5], [sflag:$0x2] =	stream.indirect.gather @!p2 [hbm4b:s4+s1], $0x40, s30, s1, $0xb8;
	[tilespmem:$0x16400] =	vst v63  }
0x95: {  	_ =	swait.ge [sflag:s24], $0x2000  }
0x96: {  	s30 =	rddreg [dreg:$0x9];
	[sflag:s24] =	ssyncset.done $0x0  }
0x97: {  	s13 =	simm.s32 @!p2 $0xB;
	[sflag:s24] =	ssyncadd.s32 $0xFFFFE000;
	s5 =	sadd.s32 s6, s30  }
0x98: {  	[hbm4b:s5+s3] =	stream.linear.scatter [tilespmem:s17], [sflag:$0xE], $0x2000, $0x38;
	[tilespmem:$0x16400] =	vst v63  }
0x99: {  	_ =	swait.ge @!p2 [sflag:s13], $0x2000  }
0x9a: {  	[sflag:s13] =	ssyncset.done @!p2 $0x0  }
0x9b: {  	s11 =	sadd.s32 @!p2 $0x500, s7;
	s5 =	simm.s32 @!p2 $0xA400;
	[sflag:s13] =	ssyncadd.s32 @!p2 $0xFFFFE000  }
0x9c: {  	[tilespmem:s5], [sflag:$0x3] =	stream.indirect.gather @!p2 [hbm4b:s4+s1], $0x40, s11, s1, $0xb8;
	[tilespmem:$0x16400] =	vst v63  }
0x9d: {  	s31 =	smov.u32 s29;
	s0 =	sadd.s32 @!p2 $0x580, s7;
	_ =	swait.ge [sflag:s25], $0x2000  }
0x9e: {  	s7 =	smov.u32 s31;
	s31 =	rddreg [dreg:$0x8];
	[sflag:s25] =	ssyncset.done $0x0  }
0x9f: {  	s11 =	simm.s32 @!p2 $0xC;
	[sflag:s25] =	ssyncadd.s32 $0xFFFFE000;
	s5 =	sadd.s32 s6, s31  }
0xa0: {  	[hbm4b:s5+s3] =	stream.linear.scatter [tilespmem:s19], [sflag:$0xF], $0x2000, $0x38;
	[tilespmem:$0x16400] =	vst v63  }
0xa1: {  	s29 =	sadd.s32 $0x1000, s29;
	_ =	swait.ge @!p2 [sflag:s11], $0x2000  }
0xa2: {  	p1 =	sne.s32 s29, $0x19000;
	[sflag:s11] =	ssyncset.done @!p2 $0x0  }
.Ltmp0:
0xa3: {  	s5 =	simm.s32 @!p2 $0xC400;
	[sflag:s11] =	ssyncadd.s32 @!p2 $0xFFFFE000;
	(pc) =	sbr.rel @p1 .LBB2_2-.Ltmp0, $4  }
0xa4: {  	[tilespmem:s5], [sflag:$0x4] =	stream.indirect.gather @!p2 [hbm4b:s4+s1], $0x40, s0, s1, $0xb8;
	[tilespmem:$0x16400] =	vst v63  }
0xa5: {  	_ =	swait.ge [sflag:s26], $0x2000  }
0xa6: {  	s2 =	smov.u32 s6;
	[sflag:s26] =	ssyncset.done $0x0  }
0xa7: {  	s6 =	sadd.s32 $0x2000, s6;
	s0 =	rddreg [dreg:$0x7];
	[sflag:s26] =	ssyncadd.s32 $0xFFFFE000  }
0xa8: {  	s1 =	simm.s32 @!p0 $0xD;
	s0 =	sadd.s32 s2, s0  }
0xa9: {  	[hbm4b:s0+s3] =	stream.linear.scatter [tilespmem:s21], [sflag:$0x10], $0x2000, $0x38;
	[tilespmem:$0x16400] =	vst v63  }
0xaa: {  	_ =	swait.ge @!p0 [sflag:s1], $0x2000  }
0xab: {  	s29 =	sshra.s32 s7, $0x2;
	[sflag:s1] =	ssyncset.done @!p0 $0x0  }
0xac: {  	s30 =	sadd.s32 $0x200, s29;
	[sflag:s1] =	ssyncadd.s32 @!p0 $0xFFFFE000  }
0xad: {  	[tilespmem:s15], [sflag:$0x5] =	stream.indirect.gather [hbm4b:s4+s8], $0x40, s30, s8, $0xb8;
	[tilespmem:$0x16400] =	vst v63  }
0xae: {  	_ =	swait.ge [sflag:s16], $0x2000  }
0xaf: {  	s31 =	rddreg [dreg:$0x3];
	[sflag:s16] =	ssyncset.done $0x0  }
0xb0: {  	s2 =	simm.s32 @!p0 $0xE;
	[sflag:s16] =	ssyncadd.s32 $0xFFFFE000;
	s1 =	sadd.s32 s6, s31  }
0xb1: {  	[hbm4b:s1+s3] =	stream.linear.scatter [tilespmem:s9], [sflag:$0x9], $0x2000, $0x38;
	[tilespmem:$0x16400] =	vst v63  }
0xb2: {  	_ =	swait.ge @!p0 [sflag:s2], $0x2000  }
0xb3: {  	[sflag:s2] =	ssyncset.done @!p0 $0x0  }
0xb4: {  	[sflag:s2] =	ssyncadd.s32 @!p0 $0xFFFFE000;
	s2 =	sadd.s32 $0x280, s29  }
0xb5: {  	[tilespmem:s17], [sflag:$0x6] =	stream.indirect.gather [hbm4b:s4+s8], $0x40, s2, s8, $0xb8;
	[tilespmem:$0x16400] =	vst v63  }
0xb6: {  	_ =	swait.ge [sflag:s18], $0x2000  }
0xb7: {  	s5 =	rddreg [dreg:$0x6];
	[sflag:s18] =	ssyncset.done $0x0  }
0xb8: {  	s2 =	simm.s32 @!p0 $0xF;
	[sflag:s18] =	ssyncadd.s32 $0xFFFFE000;
	s1 =	sadd.s32 s6, s5  }
0xb9: {  	[hbm4b:s1+s3] =	stream.linear.scatter [tilespmem:s10], [sflag:$0xA], $0x2000, $0x38;
	[tilespmem:$0x16400] =	vst v63  }
0xba: {  	_ =	swait.ge @!p0 [sflag:s2], $0x2000  }
0xbb: {  	[sflag:s2] =	ssyncset.done @!p0 $0x0  }
0xbc: {  	s11 =	sadd.s32 $0x300, s29;
	[sflag:s2] =	ssyncadd.s32 @!p0 $0xFFFFE000  }
0xbd: {  	[tilespmem:s19], [sflag:$0x7] =	stream.indirect.gather [hbm4b:s4+s8], $0x40, s11, s8, $0xb8;
	[tilespmem:$0x16400] =	vst v63  }
0xbe: {  	_ =	swait.ge [sflag:s20], $0x2000  }
0xbf: {  	s13 =	rddreg [dreg:$0x5];
	[sflag:s20] =	ssyncset.done $0x0  }
0xc0: {  	p0 =	seq.s32 s7, $0x0;
	[sflag:s20] =	ssyncadd.s32 $0xFFFFE000;
	s1 =	sadd.s32 s6, s13  }
0xc1: {  	[hbm4b:s1+s3] =	stream.linear.scatter [tilespmem:s12], [sflag:$0xB], $0x2000, $0x38;
	[tilespmem:$0x16400] =	vst v63  }
0xc2: {  	s1 =	simm.s32 @!p0 $0x10  }
0xc3: {  	_ =	swait.ge @!p0 [sflag:s1], $0x2000  }
0xc4: {  	[sflag:s1] =	ssyncset.done @!p0 $0x0  }
0xc5: {  	s0 =	sadd.s32 $0x380, s29;
	[sflag:s1] =	ssyncadd.s32 @!p0 $0xFFFFE000  }
0xc6: {  	[tilespmem:s21], [sflag:$0x8] =	stream.indirect.gather [hbm4b:s4+s8], $0x40, s0, s8, $0xb8;
	[tilespmem:$0x16400] =	vst v63  }
0xc7: {  	_ =	swait.ge [sflag:s22], $0x2000  }
0xc8: {  	p0 =	seq.s32 s7, $0x18000;
	s28 =	rddreg [dreg:$0x4];
	[sflag:s22] =	ssyncset.done $0x0  }
0xc9: {  	s1 =	simm.s32 @!p0 $0x9;
	[sflag:s22] =	ssyncadd.s32 $0xFFFFE000;
	s0 =	sadd.s32 s6, s28  }
0xca: {  	[hbm4b:s0+s3] =	stream.linear.scatter [tilespmem:s14], [sflag:$0xC], $0x2000, $0x38;
	[tilespmem:$0x16400] =	vst v63  }
0xcb: {  	_ =	swait.ge @!p0 [sflag:s1], $0x2000  }
0xcc: {  	s5 =	simm.s32 @!p0 $0x80;
	s0 =	sshra.s32 @!p0 s7, $0x2;
	[sflag:s1] =	ssyncset.done @!p0 $0x0  }
0xcd: {  	s2 =	sadd.s32 @!p0 $0x400, s0;
	[sflag:s1] =	ssyncadd.s32 @!p0 $0xFFFFE000;
	s1 =	simm.s32 @!p0 $0x6400  }
0xce: {  	[tilespmem:s1], [sflag:$0x1] =	stream.indirect.gather @!p0 [hbm4b:s4+s5], $0x40, s2, s5, $0xb8;
	[tilespmem:$0x16400] =	vst v63  }
0xcf: {  	_ =	swait.ge [sflag:s23], $0x2000  }
0xd0: {  	s29 =	rddreg [dreg:$0xa];
	[sflag:s23] =	ssyncset.done $0x0  }
0xd1: {  	s2 =	simm.s32 @!p0 $0xA;
	[sflag:s23] =	ssyncadd.s32 $0xFFFFE000;
	s1 =	sadd.s32 s6, s29  }
0xd2: {  	[hbm4b:s1+s3] =	stream.linear.scatter [tilespmem:s15], [sflag:$0xD], $0x2000, $0x38;
	[tilespmem:$0x16400] =	vst v63  }
0xd3: {  	_ =	swait.ge @!p0 [sflag:s2], $0x2000  }
0xd4: {  	[sflag:s2] =	ssyncset.done @!p0 $0x0  }
0xd5: {  	s1 =	sadd.s32 @!p0 $0x480, s0;
	[sflag:s2] =	ssyncadd.s32 @!p0 $0xFFFFE000;
	s2 =	simm.s32 @!p0 $0x8400  }
0xd6: {  	[tilespmem:s2], [sflag:$0x2] =	stream.indirect.gather @!p0 [hbm4b:s4+s5], $0x40, s1, s5, $0xb8;
	[tilespmem:$0x16400] =	vst v63  }
0xd7: {  	_ =	swait.ge [sflag:s24], $0x2000  }
0xd8: {  	s30 =	rddreg [dreg:$0x9];
	[sflag:s24] =	ssyncset.done $0x0  }
0xd9: {  	s2 =	simm.s32 @!p0 $0xB;
	[sflag:s24] =	ssyncadd.s32 $0xFFFFE000;
	s1 =	sadd.s32 s6, s30  }
0xda: {  	[hbm4b:s1+s3] =	stream.linear.scatter [tilespmem:s17], [sflag:$0xE], $0x2000, $0x38;
	[tilespmem:$0x16400] =	vst v63  }
0xdb: {  	_ =	swait.ge @!p0 [sflag:s2], $0x2000  }
0xdc: {  	[sflag:s2] =	ssyncset.done @!p0 $0x0  }
0xdd: {  	s1 =	sadd.s32 @!p0 $0x500, s0;
	[sflag:s2] =	ssyncadd.s32 @!p0 $0xFFFFE000;
	s2 =	simm.s32 @!p0 $0xA400  }
0xde: {  	[tilespmem:s2], [sflag:$0x3] =	stream.indirect.gather @!p0 [hbm4b:s4+s5], $0x40, s1, s5, $0xb8;
	[tilespmem:$0x16400] =	vst v63  }
0xdf: {  	_ =	swait.ge [sflag:s25], $0x2000  }
0xe0: {  	s31 =	rddreg [dreg:$0x8];
	[sflag:s25] =	ssyncset.done $0x0  }
0xe1: {  	[sflag:s25] =	ssyncadd.s32 $0xFFFFE000;
	s1 =	sadd.s32 s6, s31  }
0xe2: {  	[hbm4b:s1+s3] =	stream.linear.scatter [tilespmem:s19], [sflag:$0xF], $0x2000, $0x38;
	[tilespmem:$0x16400] =	vst v63  }
0xe3: {  	s1 =	simm.s32 @!p0 $0xC  }
0xe4: {  	_ =	swait.ge @!p0 [sflag:s1], $0x2000  }
0xe5: {  	[sflag:s1] =	ssyncset.done @!p0 $0x0  }
0xe6: {  	s0 =	sadd.s32 @!p0 $0x580, s0;
	[sflag:s1] =	ssyncadd.s32 @!p0 $0xFFFFE000;
	s1 =	simm.s32 @!p0 $0xC400  }
0xe7: {  	[tilespmem:s1], [sflag:$0x4] =	stream.indirect.gather @!p0 [hbm4b:s4+s5], $0x40, s0, s5, $0xb8;
	[tilespmem:$0x16400] =	vst v63  }
0xe8: {  	_ =	swait.ge [sflag:s26], $0x2000  }
0xe9: {  	s1 =	rddreg [dreg:$0x7];
	[sflag:s26] =	ssyncset.done $0x0  }
0xea: {  	s2 =	simm.s32 $0x9;
	s0 =	sadd.s32 s6, s1;
	[sflag:s26] =	ssyncadd.s32 $0xFFFFE000  }
0xeb: {  	[hbm4b:s0+s3] =	stream.linear.scatter [tilespmem:s21], [sflag:$0x10], $0x2000, $0x38;
	[tilespmem:$0x16400] =	vst v63  }
0xec: {  	_ =	swait.ge [sflag:s2], $0x2000  }
0xed: {  	[sflag:s2] =	ssyncset.done $0x0  }
0xee: {  	s5 =	simm.s32 $0xA;
	[sflag:s2] =	ssyncadd.s32 $0xFFFFE000  }
0xef: {  	_ =	swait.ge [sflag:s5], $0x2000  }
0xf0: {  	[sflag:s5] =	ssyncset.done $0x0  }
0xf1: {  	s6 =	simm.s32 $0xB;
	[sflag:s5] =	ssyncadd.s32 $0xFFFFE000  }
0xf2: {  	_ =	swait.ge [sflag:s6], $0x2000  }
0xf3: {  	[sflag:s6] =	ssyncset.done $0x0  }
0xf4: {  	s7 =	simm.s32 $0xC;
	[sflag:s6] =	ssyncadd.s32 $0xFFFFE000  }
0xf5: {  	_ =	swait.ge [sflag:s7], $0x2000  }
0xf6: {  	[sflag:s7] =	ssyncset.done $0x0  }
0xf7: {  	s11 =	simm.s32 $0xD;
	[sflag:s7] =	ssyncadd.s32 $0xFFFFE000  }
0xf8: {  	_ =	swait.ge [sflag:s11], $0x2000  }
0xf9: {  	[sflag:s11] =	ssyncset.done $0x0  }
0xfa: {  	s13 =	simm.s32 $0xE;
	[sflag:s11] =	ssyncadd.s32 $0xFFFFE000  }
0xfb: {  	_ =	swait.ge [sflag:s13], $0x2000  }
0xfc: {  	[sflag:s13] =	ssyncset.done $0x0  }
0xfd: {  	s28 =	simm.s32 $0xF;
	[sflag:s13] =	ssyncadd.s32 $0xFFFFE000  }
0xfe: {  	_ =	swait.ge [sflag:s28], $0x2000  }
0xff: {  	[sflag:s28] =	ssyncset.done $0x0  }
0x100: {  	s29 =	simm.s32 $0x10;
	[sflag:s28] =	ssyncadd.s32 $0xFFFFE000  }
0x101: {  	_ =	swait.ge [sflag:s29], $0x2000  }
0x102: {  	s30 =	rddreg [dreg:$0xd]  }
0x103: {  	s31 =	rddreg [dreg:$0xc];
	s2 =	sadd.s32 $0x1, s30  }
0x104: {  	p0 =	sne.s32 s2, s31  }
.Ltmp1:
0x105: {  	_ = 	snop;
	(pc) =	sbr.rel @p0 .LBB2_1-.Ltmp1, $3  }
0x106: {  	_ =	sdelay $0x1  }
0x107: {  	[sflag:s29] =	ssyncset.done $0x0  }
0x108: {  	[sflag:s29] =	ssyncadd.s32 $0xFFFFE000  }
0x109: {  	_ =	sfence.sel $0x180000  }
0x10a: {  	[bflag:$0x0] =	sbarrier.arrive $0xFFFF  }
0x10b: {  	_ =	strace $0x90000047  }
0x10c: {  	s0 =	stileid.u32;
	[bflag:$0x2] =	sbarrier.arrive $0xFFFF  }
0x10d: {  	p0 =	sne.s32 s0, $0x0;
	s0 =	rddreg [dreg:$0x2]  }
0x10e: {  	s0 =	sadd.s32 @!p0 $0x100000, s0  }
0x10f: {  	[sflag:s0] =	ssyncadd.tile.s32 @!p0 $0x1;
	_ =	shalt  }
.Lfunc_end2:
_tile_overlayer_lowered:
.L_overlay_start_2:
0x110: {  	(tag) =	ssettag $0x2  }
0x111: {  	s0 =	rddreg [dreg:$0x0];
	s2 =	stileid.u32  }
0x112: {  	s1 =	rddreg [dreg:$0x1];
	p0 =	sne.s32 s2, $0x0  }
0x113: {  	s3 =	rddreg [dreg:$0x2];
	[bflag:$0x3] =	sbarrier.arrive $0xFFFF;
	s2 =	simm.s32 @!p0 $0x1C11  }
0x114: {  	[timem:s3], [sflag:s2] =	dma.local @!p0 [hbm:s0], s1  }
0x115: {  	s0 =	simm.s32 @!p0 $0x11  }
0x116: {  	_ =	swait.ge @!p0 [sflag:s0], s1  }
0x117: {  	s1 =	ssub.s32 @!p0 $0x0, s1;
	[sflag:s0] =	ssyncset.done @!p0 $0x0  }
0x118: {  	[sflag:s0] =	ssyncadd.s32 @!p0 s1  }
0x119: {  	[bflag:$0x3] =	sbarrier.arrive $0xFFFF  }
0x11a: {  	_ =	shalt  }

// kernel: sparse-core-data-format-call.cloned.1.call-start
scs
called_computation_lowered:
.L_overlay_start_0:
0x0: {  	s2 =	sld [smem:$0x3FD9]  }
0x1: {  	s3 =	sld [smem:$0x3FFE];
	_ =	sdelay $0x1  }
0x2: {  	s1 =	srdreg.scid  }
0x3: {  	s0 =	sand.u32 $0x1, s1  }
0x4: {  	s18 =	sshll.u32 s0, $0xA;
	s2 =	sadd.s32 s3, s2  }
0x5: {  	s2 =	sadd.s32 s2, s18  }
0x6: {  	[smem:$0x3FC6] =	sst s2  }
0x7: {  	_ = 	snop  }
0x8: {  	s2 =	sld [smem:$0x3FD0];
	(tm) =	ssettm $0x1  }
0x9: {  	s19 =	sld [smem:$0x3FFB];
	_ =	sdelay $0x3  }
0xa: {  	_ =	strace s19  }
0xb: {  	s3 =	sld [smem:$0x3FFC];
	_ =	sdelay $0x3  }
0xc: {  	_ =	strace s3  }
0xd: {  	s3 =	sld [smem:$0x3FFD];
	_ =	sdelay $0x3  }
0xe: {  	_ =	strace s3  }
0xf: {  	_ =	strace $0x8FFFFFFF  }
0x10: {  	s20 =	sld [smem:$0x3FDB];
	_ =	sdelay $0x1  }
0x11: {  	s4 =	simm.s32 $_scs_section_size  }
0x12: {  	s5 =	simm.s32 $_size__tile_overlayer_lowered;
	s6 =	simm.s32 $_tile_overlayer_lowered  }
0x13: {  	s23 =	simm.s32 $0x1BFF;
	s22 =	sshll.u32 s6, $0x1;
	s3 =	sadd.s32 s4, s20  }
0x14: {  	s7 =	simm.s32 $0x0;
	s21 =	sshll.u32 s5, $0x1;
	s5 =	sadd.s32 s22, s3  }
0x15: {  	[timem:s7], [sflag:s23] =	dma.local [hbm:s5], s21  }
0x16: {  	_ =	swait.ge [sflag:s23], s21  }
0x17: {  	s4 =	ssub.s32 $0x0, s21;
	[sflag:s23] =	ssyncset.done $0x0  }
0x18: {  	[sflag:s23] =	ssyncadd.s32 s4;
	_ =	sdelay $0x1  }
0x19: {  	s24 =	simm.s32 $0x1B8B  }
0x1a: {  	_ =	swait.ge [sflag:s24], $0x1  }
0x1b: {  	[sflag:s24] =	ssyncset.done $0x0  }
0x1c: {  	s26 =	simm.s32 $0x1B8E;
	s25 =	sld [smem:$0x3FFE];
	[sflag:s24] =	ssyncadd.s32 $0xFFFFFFFF  }
0x1d: {  	s27 =	simm.s32 $execute0_lowered;
	[smem:$0x3FD2] =	sst s26  }
0x1e: {  	s5 =	sshll.u32 s27, $0x1;
	_ =	strace $0x80000049;
	[dreg:$0x1] =	wrdreg $0xFFFFFFFF  }
0x1f: {  	s28 =	simm.s32 $_size_execute0_lowered;
	s3 =	sadd.s32 s3, s5;
	[dreg:$0x0] =	wrdreg $0x0  }
0x20: {  	s5 =	sshll.u32 s28, $0x1;
	[dreg:$0x2] =	wrdreg s3  }
0x21: {  	[dreg:$0x3] =	wrdreg s5  }
0x22: {  	[dreg:$0x4] =	wrdreg $0xC0  }
0x23: {  	_ =	task [dreg:s7], $0x5FFFF  }
0x24: {  	[dreg:$0x1] =	wrdreg $0xFFFFFFFF  }
0x25: {  	[dreg:$0x0] =	wrdreg $0x60  }
0x26: {  	[dreg:$0x2] =	wrdreg s25  }
0x27: {  	[dreg:$0x3] =	wrdreg s2  }
0x28: {  	[dreg:$0x4] =	wrdreg $0x9  }
0x29: {  	_ =	task.clear_ibuf [dreg:s7], $0x5FFFF;
	_ =	strace $0x90000049  }
0x2a: {  	s29 =	simm.s32 $0x9;
	_ =	strace $0x8000004B  }
0x2b: {  	_ =	swait.ge [sflag:s29], $0x1  }
0x2c: {  	[sflag:s29] =	ssyncadd.s32 $0xFFFFFFFF  }
0x2d: {  	_ =	strace $0x9000004B  }
0x2e: {  	_ =	sfence  }
0x2f: {  	s30 =	sld [smem:$0x0];
	_ =	sdelay $0x2  }
0x30: {  	s31 =	sshll.u32 s1, $0xD;
	s1 =	sshrl.u32 s1, $0x2  }
0x31: {  	s3 =	sand.u32 $0x4000, s31;
	s1 =	sadd.s32 s1, s30  }
0x32: {  	s0 =	sor.u32 s3, s0;
	s1 =	sshll.u32 s1, $0x11  }
0x33: {  	s0 =	sor.u32 s1, s0  }
0x34: {  	s0 =	sadd.s32 $0x8F2B, s0  }
0x35: {  	[sflag:s0] =	ssyncadd.remote.s32 $0x1  }
0x36: {  	_ =	sfence.sel $0xFFFF  }
0x37: {  	[dreg:$0x0] =	wrdreg $0xFFFFFFFF;
	(pc) =	sbr.abs _section_cstart, $3  }
0x38: {  	[dreg:$0x1] =	wrdreg $0xFFFFFFFF  }
0x39: {  	_ =	task.clear_ibuf [dreg:s7], $0x2FFFF;
	_ =	strace $0x9FFFFFFF  }
0x3a: {  	(tm) =	ssettm $0x7FFFFFFF  }
0x3b: {  	_ =	shalt  }
tec
execute0_lowered:
.L_overlay_start_1:
0x0: {  	(tag) =	ssettag $0x1  }
0x1: {  	s0 =	srdreg.scid  }
0x2: {  	s1 =	sshll.u32 s0, $0x4  }
0x3: {  	s0 =	stileid.u32;
	s1 =	sand.u32 $0x10, s1  }
0x4: {  	s1 =	sor.u32 s0, s1  }
0x5: {  	s6 =	rddreg [dreg:$0x0];
	s4 =	simm.s32 $0x1;
	s2 =	sshll.u32 s1, $0x7  }
0x6: {  	s7 =	simm.s32 $0x2;
	s12 =	simm.s32 $0x0;
	s1 =	ssub.s32 $0x4000, s2  }
0x7: {  	s8 =	simm.s32 $0x20000;
	s13 =	simm.s32 $0x0;
	s3 =	sand.u32 $0xF80, s1  }
0x8: {  	s9 =	simm.s32 $0x0;
	s5 =	sshrl.u32 s1, $0xC;
	p0 =	sne.s32 s3, $0x0  }
.Ltmp0:
0x9: {  	s1 =	rddreg [dreg:$0x2];
	s4 =	simm.s32 @!p0 $0x0;
	(pc) =	sbr.rel .LBB1_1-.Ltmp0, $4  }
0xa: {  	s11 =	simm.s32 $0x0;
	s3 =	rddreg [dreg:$0x1];
	s5 =	sadd.s32 s4, s5  }
0xb: {  	_ =	strace $0x8000004A;
	s4 =	simm.s32 $0x1;
	s5 =	smul.u32 $0x32, s5  }
0xc: {  	s6 =	sadd.s32 $0xA00, s6;
	s10 =	smov.u32 s2;
	[sflag:s4] =	ssyncpa.u1 $0x0  }
0xd: {  	p0 =	por $0x0, $0x0;
	[sflag:s7] =	ssyncpa.u1 $0x0;
	s7 =	sor.u32 $0x1, s5  }
.LBB1_4:
0xe: {  	s16 =	sshll.u32 s13, $0x3;
	s17 =	sand.u32 $0x78, s13  }
0xf: {  	s30 =	sand.u32 $0x1F800, s13;
	s12 =	sshll.u32 s12, $0x11;
	s16 =	sand.u32 $0x3C00, s16  }
0x10: {  	[tilespmem:s15+$0x810 ss:$0x81] =	vst.msk $0xffff, v2;
	s31 =	sand.u32 $0x7, s13;
	s16 =	sor.u32 s17, s16;
	s17 =	sadd.s32 s3, s30  }
0x11: {  	[tilespmem:s15+$0x1020 ss:$0x81] =	vst.msk $0xffff, v0;
	s13 =	sshll.u32 s31, $0x12;
	s12 =	sadd.s32 s12, s17;
	s16 =	sshrl.u32 s16, $0x3  }
0x12: {  	[tilespmem:s15+$0x0 ss:$0x81] =	vst.msk $0xffff, v1;
	s13 =	sor.u32 $0x400, s13;
	s12 =	sadd.s32 s16, s12  }
0x13: {  	[hbm4b:s12+s13] =	stream.strided.scatter [tilespmem:s14], [sflag:$0x2], $0x2000, s8, s13, $0x20;
	[tilespmem:$0x8080] =	vst v63  }
.LBB1_5:
0x14: {  	s14 =	sadd.s32 $0x1, s9  }
0x15: {  	s12 =	sadd.s32 $0x1000, s10;
	s16 =	smov.u32 s10;
	p2 =	sgt.s32 s14, $0x31  }
0x16: {  	s16 =	smov.u32 @p2 s12  }
0x17: {  	s14 =	simm.s32 @p2 $0x0;
	p2 =	sgt.s32 s16, $0x3FFF  }
0x18: {  	s16 =	smov.u32 @p2 s2;
	p2 =	sne.s32 s11, s7  }
.Ltmp1:
0x19: {  	p1 =	slt.u32 s11, $0x2;
	(pc) =	sbr.rel @!p2 .LBB1_6-.Ltmp1, $4  }
0x1a: {  	s15 =	simm.s32 @!p1 $0x2  }
0x1b: {  	s13 =	smov.u32 s10;
	p0 =	por !p0, !p0;
	_ =	swait.ge @!p1 [sflag:s15], $0x2000  }
0x1c: {  	s12 =	smov.u32 s9;
	[sflag:s15] =	ssyncset.done @!p1 $0x0;
	s9 =	smov.u32 s14  }
0x1d: {  	s11 =	sadd.s32 $0x1, s11;
	[sflag:s15] =	ssyncadd.s32 @!p1 $0xFFFFE000;
	s10 =	smov.u32 s16  }
.LBB1_1:
0x1e: {  	p1 =	sge.u32 s11, s5  }
0x1f: {  	s14 =	sand.u32 @!p1 $0x1FFFFFF, s9  }
0x20: {  	s15 =	smulhi.u32 @!p1 $0x4924925, s14;
	_ =	sdelay $0x1  }
0x21: {  	s15 =	smul.u32 @!p1 $0x38, s15  }
0x22: {  	s16 =	sxor.u32 @!p1 $0xFFFFFFFF, s11;
	s17 =	smul.u32 @!p1 $0x380, s10  }
0x23: {  	s31 =	sadd.s32 $0xFFFFFFFF, s11;
	s16 =	sshll.u32 @!p1 s16, $0xD;
	s14 =	ssub.s32 @!p1 s14, s15  }
0x24: {  	s15 =	sand.u32 @!p1 $0x2000, s16;
	s16 =	sadd.s32 @!p1 s6, s17;
	s14 =	sshll.u32 @!p1 s14, $0x4  }
0x25: {  	s17 =	simm.s32 @!p1 $0x1C00;
	s14 =	sadd.s32 @!p1 s14, s16;
	s16 =	simm.s32 @!p1 $0x40  }
0x26: {  	[tilespmem:s15], [sflag:$0x1] =	stream.strided.gather @!p1 [hbm4b:s14+s16], $0x2000, s17, s16, $0x38;
	[tilespmem:$0x8080] =	vst v63  }
0x27: {  	p1 =	sge.u32 s31, s5  }
.Ltmp2:
0x28: {  	_ = 	snop;
	(pc) =	sbr.rel @p1 .LBB1_5-.Ltmp2, $1  }
0x29: {  	_ =	sdelay $0x3  }
0x2a: {  	s14 =	simm.s32 $0x1  }
0x2b: {  	_ =	swait.ge [sflag:s4], $0x2000;
	s14 =	simm.s32 @!p0 $0x0  }
0x2c: {  	[sflag:s4] =	ssyncset.done $0x0;
	s15 =	sshll.u32 s14, $0xD  }
0x2d: {  	[sflag:s4] =	ssyncadd.s32 $0xFFFFE000;
	s18 =	sor.u32 $0x20, s15  }
0x2e: {  	s14 =	smul.u32 $0x8100, s14;
	v3 =	vld [tilespmem:s18+$0x10]  }
0x2f: {  	s30 =	sand.u32 $0x1, s11;
	v2 =	vld [tilespmem:s18+$0xFFFFFFF0]  }
0x30: {  	s15 =	smul.u32 $0x8100, s30;
	s14 =	sshrl.u32 s14, $0x2;
	v0 =	vld [tilespmem:s18+$0x0]  }
0x31: {  	v1 =	vld [tilespmem:s18+$0xFFFFFFE0];
	s16 =	sor.u32 $0x4000, s14  }
0x32: {  	s31 =	sshrl.u32 s15, $0x2;
	s15 =	sadd.s32 $0x0, s16  }
0x33: {  	s17 =	simm.s32 $0x4;
	s18 =	sadd.s32 $0x40, s18;
	s14 =	sor.u32 $0x4000, s31;
	[tilespmem:s15+$0x1830 ss:$0x81] =	vst.msk $0xffff, v3  }
.LBB1_3:
0x34: {  	v3 =	vld [tilespmem:s18+$0x10];
	p1 =	sne.s32 s17, $0x1FC;
	[tilespmem:s15+$0x810 ss:$0x81] =	vst.msk $0xffff, v2;
	s19 =	smov.u32 s17;
	s17 =	sadd.s32 $0x4, s17  }
.Ltmp3:
0x35: {  	v2 =	vld [tilespmem:s18+$0xFFFFFFF0];
	[tilespmem:s15+$0x1020 ss:$0x81] =	vst.msk $0xffff, v0;
	(pc) =	sbr.rel @p1 .LBB1_3-.Ltmp3, $4  }
0x36: {  	v0 =	vld [tilespmem:s18+$0x0];
	[tilespmem:s15+$0x0 ss:$0x81] =	vst.msk $0xffff, v1  }
0x37: {  	s15 =	sshra.s32 s19, $0x2;
	v1 =	vld [tilespmem:s18+$0xFFFFFFE0]  }
0x38: {  	s15 =	sadd.s32 s15, s16  }
0x39: {  	s18 =	sadd.s32 $0x40, s18;
	[tilespmem:s15+$0x1830 ss:$0x81] =	vst.msk $0xffff, v3  }
.Ltmp4:
0x3a: {  	_ = 	snop;
	(pc) =	sbr.rel .LBB1_4-.Ltmp4, $1  }
0x3b: {  	_ =	sdelay $0x3  }
.LBB1_6:
0x3c: {  	_ =	sfence.sel $0x180000  }
0x3d: {  	s2 =	simm.s32 $0x1;
	[bflag:$0x0] =	sbarrier.arrive $0xFFFF  }
0x3e: {  	s31 =	simm.s32 $0x2;
	[sflag:s2] =	ssyncpa.u1 $0x1  }
0x3f: {  	[sflag:s31] =	ssyncpa.u1 $0x1  }
0x40: {  	p0 =	sne.s32 s0, $0x0;
	_ =	strace $0x9000004A  }
0x41: {  	s0 =	sadd.s32 @!p0 $0x100000, s1;
	[bflag:$0x2] =	sbarrier.arrive $0xFFFF  }
0x42: {  	[sflag:s0] =	ssyncadd.tile.s32 @!p0 $0x1;
	_ =	shalt  }
.Lfunc_end1:
_tile_overlayer_lowered:
.L_overlay_start_2:
0x43: {  	(tag) =	ssettag $0x2  }
0x44: {  	s0 =	rddreg [dreg:$0x0];
	s2 =	stileid.u32  }
0x45: {  	s1 =	rddreg [dreg:$0x1];
	p0 =	sne.s32 s2, $0x0  }
0x46: {  	s3 =	rddreg [dreg:$0x2];
	[bflag:$0x3] =	sbarrier.arrive $0xFFFF;
	s2 =	simm.s32 @!p0 $0x1C01  }
0x47: {  	[timem:s3], [sflag:s2] =	dma.local @!p0 [hbm:s0], s1  }
0x48: {  	s0 =	simm.s32 @!p0 $0x1  }
0x49: {  	_ =	swait.ge @!p0 [sflag:s0], s1  }
0x4a: {  	s1 =	ssub.s32 @!p0 $0x0, s1;
	[sflag:s0] =	ssyncset.done @!p0 $0x0  }
0x4b: {  	[sflag:s0] =	ssyncadd.s32 @!p0 s1  }
0x4c: {  	[bflag:$0x3] =	sbarrier.arrive $0xFFFF  }
0x4d: {  	_ =	shalt  }

</sc_bundles>
